<compile_context>
chip_gen: v7x
topology: tpu7x:2x2x1
jax: 0.10.2.dev20260603
libtpu: 0.0.44.dev20260713+nightly
codegen_flags: <defaults>
</compile_context>

<pallas_src>
import functools

import jax
import jax.numpy as jnp
from jax import lax
from jax.experimental import pallas as pl
from jax.experimental.pallas import tpu as pltpu
from jax.experimental.pallas import tpu_sc as plsc

BATCH = 16384
FIELDS = 26
EMB_DIM = 16
OUT_DIM = 16

NC = 2
NS = 16
NW = NC * NS

TOTAL = BATCH * FIELDS
B_PER_W = TOTAL // NW
NBUF = 6
CHUNK = 1024
N_CHUNKS = B_PER_W // CHUNK


def _sc_gather(table, idx_flat):
    mesh = plsc.VectorSubcoreMesh(core_axis_name="c", subcore_axis_name="s")

    scratch = (
        [pltpu.VMEM((CHUNK,), jnp.int32) for _ in range(NBUF)]
        + [pltpu.VMEM((CHUNK, EMB_DIM), jnp.float32) for _ in range(NBUF)]
        + [pltpu.SemaphoreType.DMA for _ in range(2 * NBUF)]
    )

    @functools.partial(
        pl.kernel,
        mesh=mesh,
        out_type=jax.ShapeDtypeStruct((TOTAL, EMB_DIM), jnp.float32),
        compiler_params=pltpu.CompilerParams(use_tc_tiling_on_sc=False),
        scratch_types=scratch,
    )
    def gather_kernel(table_hbm, idx_hbm, out_hbm, *bufs):
        idx_v = bufs[:NBUF]
        rows_v = bufs[NBUF:2 * NBUF]
        gsem = bufs[2 * NBUF:3 * NBUF]
        wsem = bufs[3 * NBUF:]
        wid = lax.axis_index("s") * NC + lax.axis_index("c")
        base_w = wid * B_PER_W

        def idx_load(c, b):
            pltpu.sync_copy(idx_hbm.at[pl.ds(base_w + c * CHUNK, CHUNK)],
                            idx_v[b])

        def gather(b):
            return pltpu.make_async_copy(table_hbm.at[idx_v[b]], rows_v[b],
                                         gsem[b])

        def write(c, b):
            return pltpu.make_async_copy(
                rows_v[b], out_hbm.at[pl.ds(base_w + c * CHUNK, CHUNK)],
                wsem[b])

        for c in range(min(NBUF, N_CHUNKS)):
            idx_load(c, c)
            gather(c).start()
        for c in range(N_CHUNKS):
            b = c % NBUF
            gather(b).wait()
            write(c, b).start()
            n = c + NBUF
            if n < N_CHUNKS:
                write(c, b).wait()
                idx_load(n, b)
                gather(b).start()
        for c in range(max(N_CHUNKS - NBUF, 0), N_CHUNKS):
            write(c, c % NBUF).wait()

    return gather_kernel(table, idx_flat)


K_DIM = FIELDS * EMB_DIM
MM_BLK = 2048

BAND = 13
PACK_ROWS = TOTAL * EMB_DIM // 128
PACK_BLK = MM_BLK * K_DIM // 128
R_SUB = PACK_BLK // BAND

import numpy as _np

_POS = _np.arange(BAND * 128)
_K_OF_POS = _POS % K_DIM
_B_OF_POS = _POS // K_DIM
_MASK = (_B_OF_POS[:, None] ==
         _np.repeat(_np.arange(4), OUT_DIM)[None, :]).astype(_np.float32)


def _build_wstack(W):
    wg = jnp.tile(W[_K_OF_POS], (1, 4))
    ws = wg * jnp.asarray(_MASK)
    return ws.reshape(BAND, 128, 4 * OUT_DIM)


def _mm_kernel(x_ref, ws_ref, b_ref, o_ref):
    acc = jnp.zeros((R_SUB, 4 * OUT_DIM), jnp.float32)
    for j in range(BAND):
        xj = x_ref[pl.ds(j, R_SUB, BAND), :]
        acc += jnp.dot(xj, ws_ref[j],
                       preferred_element_type=jnp.float32)
    acc += b_ref[...]
    for q in range(4):
        o_ref[pl.ds(q, R_SUB, 4), :] = acc[:, q * OUT_DIM:(q + 1) * OUT_DIM]


def _tc_project(packed, wstack, btile):
    grid = (BATCH // MM_BLK,)
    return pl.pallas_call(
        _mm_kernel,
        grid=grid,
        in_specs=[
            pl.BlockSpec((PACK_BLK, 128), lambda i: (i, 0)),
            pl.BlockSpec((BAND, 128, 4 * OUT_DIM), lambda i: (0, 0, 0)),
            pl.BlockSpec((1, 4 * OUT_DIM), lambda i: (0, 0)),
        ],
        out_specs=pl.BlockSpec((MM_BLK, OUT_DIM), lambda i: (i, 0)),
        out_shape=jax.ShapeDtypeStruct((BATCH, OUT_DIM), jnp.float32),
    )(packed, wstack, btile)


def kernel(inputs, table, W, b):
    idx_flat = inputs.reshape(-1).astype(jnp.int32)
    gathered = _sc_gather(table, idx_flat)
    packed = gathered.reshape(PACK_ROWS, 128)
    wstack = _build_wstack(W)
    btile = jnp.tile(b, 4).reshape(1, 4 * OUT_DIM)
    return _tc_project(packed, wstack, btile)

# --- scband reference (transcript-rebuilt; emitter-appended) ---
"""Pipeline reference for scband-wide-layer-59304908423381 (READ-ONLY COPY).

The authoritative reference and input builder live on the scoring server;
editing this copy changes nothing except your own understanding.
"""

import jax, jax.numpy as jnp
import numpy as np

BATCH = 16384
FIELDS = 26
VOCAB_ROWS = 1000001  # voca_size + 1
EMB_DIM = 16
OUT_DIM = 16

def setup_inputs(seed: int = 0) -> dict:
    key = jax.random.key(seed)
    k_idx, k_tab, k_w, k_b = jax.random.split(key, 4)
    inputs = jax.random.randint(k_idx, (BATCH, FIELDS), 0, VOCAB_ROWS, dtype=jnp.int64 if jax.config.jax_enable_x64 else jnp.int32)
    table = jax.random.normal(k_tab, (VOCAB_ROWS, EMB_DIM), dtype=jnp.float32) * 0.05
    W = jax.random.normal(k_w, (FIELDS * EMB_DIM, OUT_DIM), dtype=jnp.float32) * 0.05
    b = jnp.zeros((OUT_DIM,), dtype=jnp.float32)
    return {"inputs": inputs, "table": table, "W": W, "b": b}

def reference(inputs, table, W, b):
    # Embedding lookup: gather rows of the table
    wide_features = jnp.take(table, inputs, axis=0)  # [B, FIELDS, EMB_DIM]
    # Flatten
    flattened = wide_features.reshape((wide_features.shape[0], -1))  # [B, FIELDS*EMB_DIM]
    # Dense
    out = flattened @ W + b  # [B, OUT_DIM]
    return out

if __name__ == "__main__":
    import jax
    _d = setup_inputs()
    print(jax.jit(kernel)(*tuple(_d.values())))

</pallas_src>

<mosaic_0001>
#map = affine_map<(d0, d1) -> (0, 0)>
#map1 = affine_map<(d0, d1) -> (0)>
module attributes {stable_mosaic.version = 14 : i64} {
  func.func @gather_kernel(%arg0: i32, %arg1: i32, %arg2: memref<1000001x16xf32, #tpu.memory_space<hbm>>, %arg3: memref<425984xi32, #tpu.memory_space<hbm>>, %arg4: memref<425984x16xf32, #tpu.memory_space<hbm>>, %arg5: memref<1024xi32, #tpu.memory_space<vmem>>, %arg6: memref<1024xi32, #tpu.memory_space<vmem>>, %arg7: memref<1024xi32, #tpu.memory_space<vmem>>, %arg8: memref<1024xi32, #tpu.memory_space<vmem>>, %arg9: memref<1024xi32, #tpu.memory_space<vmem>>, %arg10: memref<1024xi32, #tpu.memory_space<vmem>>, %arg11: memref<1024x16xf32, #tpu.memory_space<vmem>>, %arg12: memref<1024x16xf32, #tpu.memory_space<vmem>>, %arg13: memref<1024x16xf32, #tpu.memory_space<vmem>>, %arg14: memref<1024x16xf32, #tpu.memory_space<vmem>>, %arg15: memref<1024x16xf32, #tpu.memory_space<vmem>>, %arg16: memref<1024x16xf32, #tpu.memory_space<vmem>>, %arg17: memref<!tpu.dma_semaphore, #tpu.memory_space<semaphore_mem>>, %arg18: memref<!tpu.dma_semaphore, #tpu.memory_space<semaphore_mem>>, %arg19: memref<!tpu.dma_semaphore, #tpu.memory_space<semaphore_mem>>, %arg20: memref<!tpu.dma_semaphore, #tpu.memory_space<semaphore_mem>>, %arg21: memref<!tpu.dma_semaphore, #tpu.memory_space<semaphore_mem>>, %arg22: memref<!tpu.dma_semaphore, #tpu.memory_space<semaphore_mem>>, %arg23: memref<!tpu.dma_semaphore, #tpu.memory_space<semaphore_mem>>, %arg24: memref<!tpu.dma_semaphore, #tpu.memory_space<semaphore_mem>>, %arg25: memref<!tpu.dma_semaphore, #tpu.memory_space<semaphore_mem>>, %arg26: memref<!tpu.dma_semaphore, #tpu.memory_space<semaphore_mem>>, %arg27: memref<!tpu.dma_semaphore, #tpu.memory_space<semaphore_mem>>, %arg28: memref<!tpu.dma_semaphore, #tpu.memory_space<semaphore_mem>>) attributes {dimension_semantics = [#tpu.dimension_semantics<core_parallel>, #tpu.dimension_semantics<subcore_parallel>], iteration_bounds = array<i64: 2, 16>, scalar_prefetch = 0 : i64, scratch_operands = 24 : i64, tpu.core_type = #tpu.core_type<sc_vector_subcore>, window_params = [{transform_indices = #map}, {transform_indices = #map1}, {transform_indices = #map}]} {
    %mul3A = arith.constant 2 : i32
    %mul3A_0 = arith.muli %arg1, %mul3A : i32
    %add3A = arith.addi %mul3A_0, %arg0 : i32
    %mul3A_1 = arith.constant 13312 : i32
    %mul3A_2 = arith.muli %add3A, %mul3A_1 : i32
    %add3A_3 = arith.constant 0 : i32
    %add3A_4 = arith.addi %mul3A_2, %add3A_3 : i32
    "tpu.region"() ({
      %run_scoped3A = tpu.sem_alloc : memref<!tpu.dma_semaphore, #tpu.memory_space<semaphore_mem>>
      %dma_start3A_261 = tpu.memref_slice %arg3[%add3A_4] : memref<425984xi32, #tpu.memory_space<hbm>> -> memref<1024xi32, #tpu.memory_space<hbm>>
      %dma_start3A_262 = tpu.memref_slice %arg3[%add3A_4] : memref<425984xi32, #tpu.memory_space<hbm>> -> memref<1024xi32, #tpu.memory_space<hbm>>
      tpu.enqueue_dma source(%dma_start3A_262 : memref<1024xi32, #tpu.memory_space<hbm>>) target(%arg5 : memref<1024xi32, #tpu.memory_space<vmem>>) target_semaphore(%run_scoped3A : memref<!tpu.dma_semaphore, #tpu.memory_space<semaphore_mem>>)
      %dma_wait3A_263 = tpu.memref_slice %arg3[%add3A_4] : memref<425984xi32, #tpu.memory_space<hbm>> -> memref<1024xi32, #tpu.memory_space<hbm>>
      %dma_wait3A_264 = tpu.memref_slice %arg3[%add3A_4] : memref<425984xi32, #tpu.memory_space<hbm>> -> memref<1024xi32, #tpu.memory_space<hbm>>
      tpu.wait_dma2 semaphore(%run_scoped3A : memref<!tpu.dma_semaphore, #tpu.memory_space<semaphore_mem>>) src(%dma_wait3A_264 : memref<1024xi32, #tpu.memory_space<hbm>>) dst(%arg5 : memref<1024xi32, #tpu.memory_space<vmem>>)
      tpu.yield
    }) : () -> ()
    %dma_start3A = arith.constant 0 : i32
    %dma_start3A_5 = arith.constant 0 : i32
    %dma_start3A_6 = tpu.memref_slice %arg2[%dma_start3A, %dma_start3A_5] : memref<1000001x16xf32, #tpu.memory_space<hbm>> -> memref<1000001x16xf32, #tpu.memory_space<hbm>>
    tpu.enqueue_indirect_dma source(%dma_start3A_6 : memref<1000001x16xf32, #tpu.memory_space<hbm>>) target(%arg11 : memref<1024x16xf32, #tpu.memory_space<vmem>>) offsets(%arg5 : memref<1024xi32, #tpu.memory_space<vmem>>) semaphore(%arg17 : memref<!tpu.dma_semaphore, #tpu.memory_space<semaphore_mem>>)
    %add3A_7 = arith.constant 1024 : i32
    %add3A_8 = arith.addi %mul3A_2, %add3A_7 : i32
    "tpu.region"() ({
      %run_scoped3A = tpu.sem_alloc : memref<!tpu.dma_semaphore, #tpu.memory_space<semaphore_mem>>
      %dma_start3A_261 = tpu.memref_slice %arg3[%add3A_8] : memref<425984xi32, #tpu.memory_space<hbm>> -> memref<1024xi32, #tpu.memory_space<hbm>>
      %dma_start3A_262 = tpu.memref_slice %arg3[%add3A_8] : memref<425984xi32, #tpu.memory_space<hbm>> -> memref<1024xi32, #tpu.memory_space<hbm>>
      tpu.enqueue_dma source(%dma_start3A_262 : memref<1024xi32, #tpu.memory_space<hbm>>) target(%arg6 : memref<1024xi32, #tpu.memory_space<vmem>>) target_semaphore(%run_scoped3A : memref<!tpu.dma_semaphore, #tpu.memory_space<semaphore_mem>>)
      %dma_wait3A_263 = tpu.memref_slice %arg3[%add3A_8] : memref<425984xi32, #tpu.memory_space<hbm>> -> memref<1024xi32, #tpu.memory_space<hbm>>
      %dma_wait3A_264 = tpu.memref_slice %arg3[%add3A_8] : memref<425984xi32, #tpu.memory_space<hbm>> -> memref<1024xi32, #tpu.memory_space<hbm>>
      tpu.wait_dma2 semaphore(%run_scoped3A : memref<!tpu.dma_semaphore, #tpu.memory_space<semaphore_mem>>) src(%dma_wait3A_264 : memref<1024xi32, #tpu.memory_space<hbm>>) dst(%arg6 : memref<1024xi32, #tpu.memory_space<vmem>>)
      tpu.yield
    }) : () -> ()
    %dma_start3A_9 = arith.constant 0 : i32
    %dma_start3A_10 = arith.constant 0 : i32
    %dma_start3A_11 = tpu.memref_slice %arg2[%dma_start3A_9, %dma_start3A_10] : memref<1000001x16xf32, #tpu.memory_space<hbm>> -> memref<1000001x16xf32, #tpu.memory_space<hbm>>
    tpu.enqueue_indirect_dma source(%dma_start3A_11 : memref<1000001x16xf32, #tpu.memory_space<hbm>>) target(%arg12 : memref<1024x16xf32, #tpu.memory_space<vmem>>) offsets(%arg6 : memref<1024xi32, #tpu.memory_space<vmem>>) semaphore(%arg18 : memref<!tpu.dma_semaphore, #tpu.memory_space<semaphore_mem>>)
    %add3A_12 = arith.constant 2048 : i32
    %add3A_13 = arith.addi %mul3A_2, %add3A_12 : i32
    "tpu.region"() ({
      %run_scoped3A = tpu.sem_alloc : memref<!tpu.dma_semaphore, #tpu.memory_space<semaphore_mem>>
      %dma_start3A_261 = tpu.memref_slice %arg3[%add3A_13] : memref<425984xi32, #tpu.memory_space<hbm>> -> memref<1024xi32, #tpu.memory_space<hbm>>
      %dma_start3A_262 = tpu.memref_slice %arg3[%add3A_13] : memref<425984xi32, #tpu.memory_space<hbm>> -> memref<1024xi32, #tpu.memory_space<hbm>>
      tpu.enqueue_dma source(%dma_start3A_262 : memref<1024xi32, #tpu.memory_space<hbm>>) target(%arg7 : memref<1024xi32, #tpu.memory_space<vmem>>) target_semaphore(%run_scoped3A : memref<!tpu.dma_semaphore, #tpu.memory_space<semaphore_mem>>)
      %dma_wait3A_263 = tpu.memref_slice %arg3[%add3A_13] : memref<425984xi32, #tpu.memory_space<hbm>> -> memref<1024xi32, #tpu.memory_space<hbm>>
      %dma_wait3A_264 = tpu.memref_slice %arg3[%add3A_13] : memref<425984xi32, #tpu.memory_space<hbm>> -> memref<1024xi32, #tpu.memory_space<hbm>>
      tpu.wait_dma2 semaphore(%run_scoped3A : memref<!tpu.dma_semaphore, #tpu.memory_space<semaphore_mem>>) src(%dma_wait3A_264 : memref<1024xi32, #tpu.memory_space<hbm>>) dst(%arg7 : memref<1024xi32, #tpu.memory_space<vmem>>)
      tpu.yield
    }) : () -> ()
    %dma_start3A_14 = arith.constant 0 : i32
    %dma_start3A_15 = arith.constant 0 : i32
    %dma_start3A_16 = tpu.memref_slice %arg2[%dma_start3A_14, %dma_start3A_15] : memref<1000001x16xf32, #tpu.memory_space<hbm>> -> memref<1000001x16xf32, #tpu.memory_space<hbm>>
    tpu.enqueue_indirect_dma source(%dma_start3A_16 : memref<1000001x16xf32, #tpu.memory_space<hbm>>) target(%arg13 : memref<1024x16xf32, #tpu.memory_space<vmem>>) offsets(%arg7 : memref<1024xi32, #tpu.memory_space<vmem>>) semaphore(%arg19 : memref<!tpu.dma_semaphore, #tpu.memory_space<semaphore_mem>>)
    %add3A_17 = arith.constant 3072 : i32
    %add3A_18 = arith.addi %mul3A_2, %add3A_17 : i32
    "tpu.region"() ({
      %run_scoped3A = tpu.sem_alloc : memref<!tpu.dma_semaphore, #tpu.memory_space<semaphore_mem>>
      %dma_start3A_261 = tpu.memref_slice %arg3[%add3A_18] : memref<425984xi32, #tpu.memory_space<hbm>> -> memref<1024xi32, #tpu.memory_space<hbm>>
      %dma_start3A_262 = tpu.memref_slice %arg3[%add3A_18] : memref<425984xi32, #tpu.memory_space<hbm>> -> memref<1024xi32, #tpu.memory_space<hbm>>
      tpu.enqueue_dma source(%dma_start3A_262 : memref<1024xi32, #tpu.memory_space<hbm>>) target(%arg8 : memref<1024xi32, #tpu.memory_space<vmem>>) target_semaphore(%run_scoped3A : memref<!tpu.dma_semaphore, #tpu.memory_space<semaphore_mem>>)
      %dma_wait3A_263 = tpu.memref_slice %arg3[%add3A_18] : memref<425984xi32, #tpu.memory_space<hbm>> -> memref<1024xi32, #tpu.memory_space<hbm>>
      %dma_wait3A_264 = tpu.memref_slice %arg3[%add3A_18] : memref<425984xi32, #tpu.memory_space<hbm>> -> memref<1024xi32, #tpu.memory_space<hbm>>
      tpu.wait_dma2 semaphore(%run_scoped3A : memref<!tpu.dma_semaphore, #tpu.memory_space<semaphore_mem>>) src(%dma_wait3A_264 : memref<1024xi32, #tpu.memory_space<hbm>>) dst(%arg8 : memref<1024xi32, #tpu.memory_space<vmem>>)
      tpu.yield
    }) : () -> ()
    %dma_start3A_19 = arith.constant 0 : i32
    %dma_start3A_20 = arith.constant 0 : i32
    %dma_start3A_21 = tpu.memref_slice %arg2[%dma_start3A_19, %dma_start3A_20] : memref<1000001x16xf32, #tpu.memory_space<hbm>> -> memref<1000001x16xf32, #tpu.memory_space<hbm>>
    tpu.enqueue_indirect_dma source(%dma_start3A_21 : memref<1000001x16xf32, #tpu.memory_space<hbm>>) target(%arg14 : memref<1024x16xf32, #tpu.memory_space<vmem>>) offsets(%arg8 : memref<1024xi32, #tpu.memory_space<vmem>>) semaphore(%arg20 : memref<!tpu.dma_semaphore, #tpu.memory_space<semaphore_mem>>)
    %add3A_22 = arith.constant 4096 : i32
    %add3A_23 = arith.addi %mul3A_2, %add3A_22 : i32
    "tpu.region"() ({
      %run_scoped3A = tpu.sem_alloc : memref<!tpu.dma_semaphore, #tpu.memory_space<semaphore_mem>>
      %dma_start3A_261 = tpu.memref_slice %arg3[%add3A_23] : memref<425984xi32, #tpu.memory_space<hbm>> -> memref<1024xi32, #tpu.memory_space<hbm>>
      %dma_start3A_262 = tpu.memref_slice %arg3[%add3A_23] : memref<425984xi32, #tpu.memory_space<hbm>> -> memref<1024xi32, #tpu.memory_space<hbm>>
      tpu.enqueue_dma source(%dma_start3A_262 : memref<1024xi32, #tpu.memory_space<hbm>>) target(%arg9 : memref<1024xi32, #tpu.memory_space<vmem>>) target_semaphore(%run_scoped3A : memref<!tpu.dma_semaphore, #tpu.memory_space<semaphore_mem>>)
      %dma_wait3A_263 = tpu.memref_slice %arg3[%add3A_23] : memref<425984xi32, #tpu.memory_space<hbm>> -> memref<1024xi32, #tpu.memory_space<hbm>>
      %dma_wait3A_264 = tpu.memref_slice %arg3[%add3A_23] : memref<425984xi32, #tpu.memory_space<hbm>> -> memref<1024xi32, #tpu.memory_space<hbm>>
      tpu.wait_dma2 semaphore(%run_scoped3A : memref<!tpu.dma_semaphore, #tpu.memory_space<semaphore_mem>>) src(%dma_wait3A_264 : memref<1024xi32, #tpu.memory_space<hbm>>) dst(%arg9 : memref<1024xi32, #tpu.memory_space<vmem>>)
      tpu.yield
    }) : () -> ()
    %dma_start3A_24 = arith.constant 0 : i32
    %dma_start3A_25 = arith.constant 0 : i32
    %dma_start3A_26 = tpu.memref_slice %arg2[%dma_start3A_24, %dma_start3A_25] : memref<1000001x16xf32, #tpu.memory_space<hbm>> -> memref<1000001x16xf32, #tpu.memory_space<hbm>>
    tpu.enqueue_indirect_dma source(%dma_start3A_26 : memref<1000001x16xf32, #tpu.memory_space<hbm>>) target(%arg15 : memref<1024x16xf32, #tpu.memory_space<vmem>>) offsets(%arg9 : memref<1024xi32, #tpu.memory_space<vmem>>) semaphore(%arg21 : memref<!tpu.dma_semaphore, #tpu.memory_space<semaphore_mem>>)
    %add3A_27 = arith.constant 5120 : i32
    %add3A_28 = arith.addi %mul3A_2, %add3A_27 : i32
    "tpu.region"() ({
      %run_scoped3A = tpu.sem_alloc : memref<!tpu.dma_semaphore, #tpu.memory_space<semaphore_mem>>
      %dma_start3A_261 = tpu.memref_slice %arg3[%add3A_28] : memref<425984xi32, #tpu.memory_space<hbm>> -> memref<1024xi32, #tpu.memory_space<hbm>>
      %dma_start3A_262 = tpu.memref_slice %arg3[%add3A_28] : memref<425984xi32, #tpu.memory_space<hbm>> -> memref<1024xi32, #tpu.memory_space<hbm>>
      tpu.enqueue_dma source(%dma_start3A_262 : memref<1024xi32, #tpu.memory_space<hbm>>) target(%arg10 : memref<1024xi32, #tpu.memory_space<vmem>>) target_semaphore(%run_scoped3A : memref<!tpu.dma_semaphore, #tpu.memory_space<semaphore_mem>>)
      %dma_wait3A_263 = tpu.memref_slice %arg3[%add3A_28] : memref<425984xi32, #tpu.memory_space<hbm>> -> memref<1024xi32, #tpu.memory_space<hbm>>
      %dma_wait3A_264 = tpu.memref_slice %arg3[%add3A_28] : memref<425984xi32, #tpu.memory_space<hbm>> -> memref<1024xi32, #tpu.memory_space<hbm>>
      tpu.wait_dma2 semaphore(%run_scoped3A : memref<!tpu.dma_semaphore, #tpu.memory_space<semaphore_mem>>) src(%dma_wait3A_264 : memref<1024xi32, #tpu.memory_space<hbm>>) dst(%arg10 : memref<1024xi32, #tpu.memory_space<vmem>>)
      tpu.yield
    }) : () -> ()
    %dma_start3A_29 = arith.constant 0 : i32
    %dma_start3A_30 = arith.constant 0 : i32
    %dma_start3A_31 = tpu.memref_slice %arg2[%dma_start3A_29, %dma_start3A_30] : memref<1000001x16xf32, #tpu.memory_space<hbm>> -> memref<1000001x16xf32, #tpu.memory_space<hbm>>
    tpu.enqueue_indirect_dma source(%dma_start3A_31 : memref<1000001x16xf32, #tpu.memory_space<hbm>>) target(%arg16 : memref<1024x16xf32, #tpu.memory_space<vmem>>) offsets(%arg10 : memref<1024xi32, #tpu.memory_space<vmem>>) semaphore(%arg22 : memref<!tpu.dma_semaphore, #tpu.memory_space<semaphore_mem>>)
    %dma_wait3A = arith.constant 0 : i32
    %dma_wait3A_32 = arith.constant 0 : i32
    %dma_wait3A_33 = tpu.memref_slice %arg2[%dma_wait3A, %dma_wait3A_32] : memref<1000001x16xf32, #tpu.memory_space<hbm>> -> memref<1000001x16xf32, #tpu.memory_space<hbm>>
    tpu.wait_indirect_dma semaphore(%arg17 : memref<!tpu.dma_semaphore, #tpu.memory_space<semaphore_mem>>) src(%dma_wait3A_33 : memref<1000001x16xf32, #tpu.memory_space<hbm>>) dst(%arg11 : memref<1024x16xf32, #tpu.memory_space<vmem>>)
    %add3A_34 = arith.constant 0 : i32
    %add3A_35 = arith.addi %mul3A_2, %add3A_34 : i32
    %dma_start3A_36 = arith.constant 0 : i32
    %dma_start3A_37 = tpu.memref_slice %arg4[%add3A_35, %dma_start3A_36] : memref<425984x16xf32, #tpu.memory_space<hbm>> -> memref<1024x16xf32, #tpu.memory_space<hbm>>
    %dma_start3A_38 = arith.constant 0 : i32
    %dma_start3A_39 = tpu.memref_slice %arg4[%add3A_35, %dma_start3A_38] : memref<425984x16xf32, #tpu.memory_space<hbm>> -> memref<1024x16xf32, #tpu.memory_space<hbm>>
    tpu.enqueue_dma source(%arg11 : memref<1024x16xf32, #tpu.memory_space<vmem>>) target(%dma_start3A_39 : memref<1024x16xf32, #tpu.memory_space<hbm>>) target_semaphore(%arg23 : memref<!tpu.dma_semaphore, #tpu.memory_space<semaphore_mem>>)
    %add3A_40 = arith.constant 0 : i32
    %add3A_41 = arith.addi %mul3A_2, %add3A_40 : i32
    %dma_wait3A_42 = arith.constant 0 : i32
    %dma_wait3A_43 = tpu.memref_slice %arg4[%add3A_41, %dma_wait3A_42] : memref<425984x16xf32, #tpu.memory_space<hbm>> -> memref<1024x16xf32, #tpu.memory_space<hbm>>
    %dma_wait3A_44 = arith.constant 0 : i32
    %dma_wait3A_45 = tpu.memref_slice %arg4[%add3A_41, %dma_wait3A_44] : memref<425984x16xf32, #tpu.memory_space<hbm>> -> memref<1024x16xf32, #tpu.memory_space<hbm>>
    tpu.wait_dma2 semaphore(%arg23 : memref<!tpu.dma_semaphore, #tpu.memory_space<semaphore_mem>>) src(%arg11 : memref<1024x16xf32, #tpu.memory_space<vmem>>) dst(%dma_wait3A_45 : memref<1024x16xf32, #tpu.memory_space<hbm>>)
    %add3A_46 = arith.constant 6144 : i32
    %add3A_47 = arith.addi %mul3A_2, %add3A_46 : i32
    "tpu.region"() ({
      %run_scoped3A = tpu.sem_alloc : memref<!tpu.dma_semaphore, #tpu.memory_space<semaphore_mem>>
      %dma_start3A_261 = tpu.memref_slice %arg3[%add3A_47] : memref<425984xi32, #tpu.memory_space<hbm>> -> memref<1024xi32, #tpu.memory_space<hbm>>
      %dma_start3A_262 = tpu.memref_slice %arg3[%add3A_47] : memref<425984xi32, #tpu.memory_space<hbm>> -> memref<1024xi32, #tpu.memory_space<hbm>>
      tpu.enqueue_dma source(%dma_start3A_262 : memref<1024xi32, #tpu.memory_space<hbm>>) target(%arg5 : memref<1024xi32, #tpu.memory_space<vmem>>) target_semaphore(%run_scoped3A : memref<!tpu.dma_semaphore, #tpu.memory_space<semaphore_mem>>)
      %dma_wait3A_263 = tpu.memref_slice %arg3[%add3A_47] : memref<425984xi32, #tpu.memory_space<hbm>> -> memref<1024xi32, #tpu.memory_space<hbm>>
      %dma_wait3A_264 = tpu.memref_slice %arg3[%add3A_47] : memref<425984xi32, #tpu.memory_space<hbm>> -> memref<1024xi32, #tpu.memory_space<hbm>>
      tpu.wait_dma2 semaphore(%run_scoped3A : memref<!tpu.dma_semaphore, #tpu.memory_space<semaphore_mem>>) src(%dma_wait3A_264 : memref<1024xi32, #tpu.memory_space<hbm>>) dst(%arg5 : memref<1024xi32, #tpu.memory_space<vmem>>)
      tpu.yield
    }) : () -> ()
    %dma_start3A_48 = arith.constant 0 : i32
    %dma_start3A_49 = arith.constant 0 : i32
    %dma_start3A_50 = tpu.memref_slice %arg2[%dma_start3A_48, %dma_start3A_49] : memref<1000001x16xf32, #tpu.memory_space<hbm>> -> memref<1000001x16xf32, #tpu.memory_space<hbm>>
    tpu.enqueue_indirect_dma source(%dma_start3A_50 : memref<1000001x16xf32, #tpu.memory_space<hbm>>) target(%arg11 : memref<1024x16xf32, #tpu.memory_space<vmem>>) offsets(%arg5 : memref<1024xi32, #tpu.memory_space<vmem>>) semaphore(%arg17 : memref<!tpu.dma_semaphore, #tpu.memory_space<semaphore_mem>>)
    %dma_wait3A_51 = arith.constant 0 : i32
    %dma_wait3A_52 = arith.constant 0 : i32
    %dma_wait3A_53 = tpu.memref_slice %arg2[%dma_wait3A_51, %dma_wait3A_52] : memref<1000001x16xf32, #tpu.memory_space<hbm>> -> memref<1000001x16xf32, #tpu.memory_space<hbm>>
    tpu.wait_indirect_dma semaphore(%arg18 : memref<!tpu.dma_semaphore, #tpu.memory_space<semaphore_mem>>) src(%dma_wait3A_53 : memref<1000001x16xf32, #tpu.memory_space<hbm>>) dst(%arg12 : memref<1024x16xf32, #tpu.memory_space<vmem>>)
    %add3A_54 = arith.constant 1024 : i32
    %add3A_55 = arith.addi %mul3A_2, %add3A_54 : i32
    %dma_start3A_56 = arith.constant 0 : i32
    %dma_start3A_57 = tpu.memref_slice %arg4[%add3A_55, %dma_start3A_56] : memref<425984x16xf32, #tpu.memory_space<hbm>> -> memref<1024x16xf32, #tpu.memory_space<hbm>>
    %dma_start3A_58 = arith.constant 0 : i32
    %dma_start3A_59 = tpu.memref_slice %arg4[%add3A_55, %dma_start3A_58] : memref<425984x16xf32, #tpu.memory_space<hbm>> -> memref<1024x16xf32, #tpu.memory_space<hbm>>
    tpu.enqueue_dma source(%arg12 : memref<1024x16xf32, #tpu.memory_space<vmem>>) target(%dma_start3A_59 : memref<1024x16xf32, #tpu.memory_space<hbm>>) target_semaphore(%arg24 : memref<!tpu.dma_semaphore, #tpu.memory_space<semaphore_mem>>)
    %add3A_60 = arith.constant 1024 : i32
    %add3A_61 = arith.addi %mul3A_2, %add3A_60 : i32
    %dma_wait3A_62 = arith.constant 0 : i32
    %dma_wait3A_63 = tpu.memref_slice %arg4[%add3A_61, %dma_wait3A_62] : memref<425984x16xf32, #tpu.memory_space<hbm>> -> memref<1024x16xf32, #tpu.memory_space<hbm>>
    %dma_wait3A_64 = arith.constant 0 : i32
    %dma_wait3A_65 = tpu.memref_slice %arg4[%add3A_61, %dma_wait3A_64] : memref<425984x16xf32, #tpu.memory_space<hbm>> -> memref<1024x16xf32, #tpu.memory_space<hbm>>
    tpu.wait_dma2 semaphore(%arg24 : memref<!tpu.dma_semaphore, #tpu.memory_space<semaphore_mem>>) src(%arg12 : memref<1024x16xf32, #tpu.memory_space<vmem>>) dst(%dma_wait3A_65 : memref<1024x16xf32, #tpu.memory_space<hbm>>)
    %add3A_66 = arith.constant 7168 : i32
    %add3A_67 = arith.addi %mul3A_2, %add3A_66 : i32
    "tpu.region"() ({
      %run_scoped3A = tpu.sem_alloc : memref<!tpu.dma_semaphore, #tpu.memory_space<semaphore_mem>>
      %dma_start3A_261 = tpu.memref_slice %arg3[%add3A_67] : memref<425984xi32, #tpu.memory_space<hbm>> -> memref<1024xi32, #tpu.memory_space<hbm>>
      %dma_start3A_262 = tpu.memref_slice %arg3[%add3A_67] : memref<425984xi32, #tpu.memory_space<hbm>> -> memref<1024xi32, #tpu.memory_space<hbm>>
      tpu.enqueue_dma source(%dma_start3A_262 : memref<1024xi32, #tpu.memory_space<hbm>>) target(%arg6 : memref<1024xi32, #tpu.memory_space<vmem>>) target_semaphore(%run_scoped3A : memref<!tpu.dma_semaphore, #tpu.memory_space<semaphore_mem>>)
      %dma_wait3A_263 = tpu.memref_slice %arg3[%add3A_67] : memref<425984xi32, #tpu.memory_space<hbm>> -> memref<1024xi32, #tpu.memory_space<hbm>>
      %dma_wait3A_264 = tpu.memref_slice %arg3[%add3A_67] : memref<425984xi32, #tpu.memory_space<hbm>> -> memref<1024xi32, #tpu.memory_space<hbm>>
      tpu.wait_dma2 semaphore(%run_scoped3A : memref<!tpu.dma_semaphore, #tpu.memory_space<semaphore_mem>>) src(%dma_wait3A_264 : memref<1024xi32, #tpu.memory_space<hbm>>) dst(%arg6 : memref<1024xi32, #tpu.memory_space<vmem>>)
      tpu.yield
    }) : () -> ()
    %dma_start3A_68 = arith.constant 0 : i32
    %dma_start3A_69 = arith.constant 0 : i32
    %dma_start3A_70 = tpu.memref_slice %arg2[%dma_start3A_68, %dma_start3A_69] : memref<1000001x16xf32, #tpu.memory_space<hbm>> -> memref<1000001x16xf32, #tpu.memory_space<hbm>>
    tpu.enqueue_indirect_dma source(%dma_start3A_70 : memref<1000001x16xf32, #tpu.memory_space<hbm>>) target(%arg12 : memref<1024x16xf32, #tpu.memory_space<vmem>>) offsets(%arg6 : memref<1024xi32, #tpu.memory_space<vmem>>) semaphore(%arg18 : memref<!tpu.dma_semaphore, #tpu.memory_space<semaphore_mem>>)
    %dma_wait3A_71 = arith.constant 0 : i32
    %dma_wait3A_72 = arith.constant 0 : i32
    %dma_wait3A_73 = tpu.memref_slice %arg2[%dma_wait3A_71, %dma_wait3A_72] : memref<1000001x16xf32, #tpu.memory_space<hbm>> -> memref<1000001x16xf32, #tpu.memory_space<hbm>>
    tpu.wait_indirect_dma semaphore(%arg19 : memref<!tpu.dma_semaphore, #tpu.memory_space<semaphore_mem>>) src(%dma_wait3A_73 : memref<1000001x16xf32, #tpu.memory_space<hbm>>) dst(%arg13 : memref<1024x16xf32, #tpu.memory_space<vmem>>)
    %add3A_74 = arith.constant 2048 : i32
    %add3A_75 = arith.addi %mul3A_2, %add3A_74 : i32
    %dma_start3A_76 = arith.constant 0 : i32
    %dma_start3A_77 = tpu.memref_slice %arg4[%add3A_75, %dma_start3A_76] : memref<425984x16xf32, #tpu.memory_space<hbm>> -> memref<1024x16xf32, #tpu.memory_space<hbm>>
    %dma_start3A_78 = arith.constant 0 : i32
    %dma_start3A_79 = tpu.memref_slice %arg4[%add3A_75, %dma_start3A_78] : memref<425984x16xf32, #tpu.memory_space<hbm>> -> memref<1024x16xf32, #tpu.memory_space<hbm>>
    tpu.enqueue_dma source(%arg13 : memref<1024x16xf32, #tpu.memory_space<vmem>>) target(%dma_start3A_79 : memref<1024x16xf32, #tpu.memory_space<hbm>>) target_semaphore(%arg25 : memref<!tpu.dma_semaphore, #tpu.memory_space<semaphore_mem>>)
    %add3A_80 = arith.constant 2048 : i32
    %add3A_81 = arith.addi %mul3A_2, %add3A_80 : i32
    %dma_wait3A_82 = arith.constant 0 : i32
    %dma_wait3A_83 = tpu.memref_slice %arg4[%add3A_81, %dma_wait3A_82] : memref<425984x16xf32, #tpu.memory_space<hbm>> -> memref<1024x16xf32, #tpu.memory_space<hbm>>
    %dma_wait3A_84 = arith.constant 0 : i32
    %dma_wait3A_85 = tpu.memref_slice %arg4[%add3A_81, %dma_wait3A_84] : memref<425984x16xf32, #tpu.memory_space<hbm>> -> memref<1024x16xf32, #tpu.memory_space<hbm>>
    tpu.wait_dma2 semaphore(%arg25 : memref<!tpu.dma_semaphore, #tpu.memory_space<semaphore_mem>>) src(%arg13 : memref<1024x16xf32, #tpu.memory_space<vmem>>) dst(%dma_wait3A_85 : memref<1024x16xf32, #tpu.memory_space<hbm>>)
    %add3A_86 = arith.constant 8192 : i32
    %add3A_87 = arith.addi %mul3A_2, %add3A_86 : i32
    "tpu.region"() ({
      %run_scoped3A = tpu.sem_alloc : memref<!tpu.dma_semaphore, #tpu.memory_space<semaphore_mem>>
      %dma_start3A_261 = tpu.memref_slice %arg3[%add3A_87] : memref<425984xi32, #tpu.memory_space<hbm>> -> memref<1024xi32, #tpu.memory_space<hbm>>
      %dma_start3A_262 = tpu.memref_slice %arg3[%add3A_87] : memref<425984xi32, #tpu.memory_space<hbm>> -> memref<1024xi32, #tpu.memory_space<hbm>>
      tpu.enqueue_dma source(%dma_start3A_262 : memref<1024xi32, #tpu.memory_space<hbm>>) target(%arg7 : memref<1024xi32, #tpu.memory_space<vmem>>) target_semaphore(%run_scoped3A : memref<!tpu.dma_semaphore, #tpu.memory_space<semaphore_mem>>)
      %dma_wait3A_263 = tpu.memref_slice %arg3[%add3A_87] : memref<425984xi32, #tpu.memory_space<hbm>> -> memref<1024xi32, #tpu.memory_space<hbm>>
      %dma_wait3A_264 = tpu.memref_slice %arg3[%add3A_87] : memref<425984xi32, #tpu.memory_space<hbm>> -> memref<1024xi32, #tpu.memory_space<hbm>>
      tpu.wait_dma2 semaphore(%run_scoped3A : memref<!tpu.dma_semaphore, #tpu.memory_space<semaphore_mem>>) src(%dma_wait3A_264 : memref<1024xi32, #tpu.memory_space<hbm>>) dst(%arg7 : memref<1024xi32, #tpu.memory_space<vmem>>)
      tpu.yield
    }) : () -> ()
    %dma_start3A_88 = arith.constant 0 : i32
    %dma_start3A_89 = arith.constant 0 : i32
    %dma_start3A_90 = tpu.memref_slice %arg2[%dma_start3A_88, %dma_start3A_89] : memref<1000001x16xf32, #tpu.memory_space<hbm>> -> memref<1000001x16xf32, #tpu.memory_space<hbm>>
    tpu.enqueue_indirect_dma source(%dma_start3A_90 : memref<1000001x16xf32, #tpu.memory_space<hbm>>) target(%arg13 : memref<1024x16xf32, #tpu.memory_space<vmem>>) offsets(%arg7 : memref<1024xi32, #tpu.memory_space<vmem>>) semaphore(%arg19 : memref<!tpu.dma_semaphore, #tpu.memory_space<semaphore_mem>>)
    %dma_wait3A_91 = arith.constant 0 : i32
    %dma_wait3A_92 = arith.constant 0 : i32
    %dma_wait3A_93 = tpu.memref_slice %arg2[%dma_wait3A_91, %dma_wait3A_92] : memref<1000001x16xf32, #tpu.memory_space<hbm>> -> memref<1000001x16xf32, #tpu.memory_space<hbm>>
    tpu.wait_indirect_dma semaphore(%arg20 : memref<!tpu.dma_semaphore, #tpu.memory_space<semaphore_mem>>) src(%dma_wait3A_93 : memref<1000001x16xf32, #tpu.memory_space<hbm>>) dst(%arg14 : memref<1024x16xf32, #tpu.memory_space<vmem>>)
    %add3A_94 = arith.constant 3072 : i32
    %add3A_95 = arith.addi %mul3A_2, %add3A_94 : i32
    %dma_start3A_96 = arith.constant 0 : i32
    %dma_start3A_97 = tpu.memref_slice %arg4[%add3A_95, %dma_start3A_96] : memref<425984x16xf32, #tpu.memory_space<hbm>> -> memref<1024x16xf32, #tpu.memory_space<hbm>>
    %dma_start3A_98 = arith.constant 0 : i32
    %dma_start3A_99 = tpu.memref_slice %arg4[%add3A_95, %dma_start3A_98] : memref<425984x16xf32, #tpu.memory_space<hbm>> -> memref<1024x16xf32, #tpu.memory_space<hbm>>
    tpu.enqueue_dma source(%arg14 : memref<1024x16xf32, #tpu.memory_space<vmem>>) target(%dma_start3A_99 : memref<1024x16xf32, #tpu.memory_space<hbm>>) target_semaphore(%arg26 : memref<!tpu.dma_semaphore, #tpu.memory_space<semaphore_mem>>)
    %add3A_100 = arith.constant 3072 : i32
    %add3A_101 = arith.addi %mul3A_2, %add3A_100 : i32
    %dma_wait3A_102 = arith.constant 0 : i32
    %dma_wait3A_103 = tpu.memref_slice %arg4[%add3A_101, %dma_wait3A_102] : memref<425984x16xf32, #tpu.memory_space<hbm>> -> memref<1024x16xf32, #tpu.memory_space<hbm>>
    %dma_wait3A_104 = arith.constant 0 : i32
    %dma_wait3A_105 = tpu.memref_slice %arg4[%add3A_101, %dma_wait3A_104] : memref<425984x16xf32, #tpu.memory_space<hbm>> -> memref<1024x16xf32, #tpu.memory_space<hbm>>
    tpu.wait_dma2 semaphore(%arg26 : memref<!tpu.dma_semaphore, #tpu.memory_space<semaphore_mem>>) src(%arg14 : memref<1024x16xf32, #tpu.memory_space<vmem>>) dst(%dma_wait3A_105 : memref<1024x16xf32, #tpu.memory_space<hbm>>)
    %add3A_106 = arith.constant 9216 : i32
    %add3A_107 = arith.addi %mul3A_2, %add3A_106 : i32
    "tpu.region"() ({
      %run_scoped3A = tpu.sem_alloc : memref<!tpu.dma_semaphore, #tpu.memory_space<semaphore_mem>>
      %dma_start3A_261 = tpu.memref_slice %arg3[%add3A_107] : memref<425984xi32, #tpu.memory_space<hbm>> -> memref<1024xi32, #tpu.memory_space<hbm>>
      %dma_start3A_262 = tpu.memref_slice %arg3[%add3A_107] : memref<425984xi32, #tpu.memory_space<hbm>> -> memref<1024xi32, #tpu.memory_space<hbm>>
      tpu.enqueue_dma source(%dma_start3A_262 : memref<1024xi32, #tpu.memory_space<hbm>>) target(%arg8 : memref<1024xi32, #tpu.memory_space<vmem>>) target_semaphore(%run_scoped3A : memref<!tpu.dma_semaphore, #tpu.memory_space<semaphore_mem>>)
      %dma_wait3A_263 = tpu.memref_slice %arg3[%add3A_107] : memref<425984xi32, #tpu.memory_space<hbm>> -> memref<1024xi32, #tpu.memory_space<hbm>>
      %dma_wait3A_264 = tpu.memref_slice %arg3[%add3A_107] : memref<425984xi32, #tpu.memory_space<hbm>> -> memref<1024xi32, #tpu.memory_space<hbm>>
      tpu.wait_dma2 semaphore(%run_scoped3A : memref<!tpu.dma_semaphore, #tpu.memory_space<semaphore_mem>>) src(%dma_wait3A_264 : memref<1024xi32, #tpu.memory_space<hbm>>) dst(%arg8 : memref<1024xi32, #tpu.memory_space<vmem>>)
      tpu.yield
    }) : () -> ()
    %dma_start3A_108 = arith.constant 0 : i32
    %dma_start3A_109 = arith.constant 0 : i32
    %dma_start3A_110 = tpu.memref_slice %arg2[%dma_start3A_108, %dma_start3A_109] : memref<1000001x16xf32, #tpu.memory_space<hbm>> -> memref<1000001x16xf32, #tpu.memory_space<hbm>>
    tpu.enqueue_indirect_dma source(%dma_start3A_110 : memref<1000001x16xf32, #tpu.memory_space<hbm>>) target(%arg14 : memref<1024x16xf32, #tpu.memory_space<vmem>>) offsets(%arg8 : memref<1024xi32, #tpu.memory_space<vmem>>) semaphore(%arg20 : memref<!tpu.dma_semaphore, #tpu.memory_space<semaphore_mem>>)
    %dma_wait3A_111 = arith.constant 0 : i32
    %dma_wait3A_112 = arith.constant 0 : i32
    %dma_wait3A_113 = tpu.memref_slice %arg2[%dma_wait3A_111, %dma_wait3A_112] : memref<1000001x16xf32, #tpu.memory_space<hbm>> -> memref<1000001x16xf32, #tpu.memory_space<hbm>>
    tpu.wait_indirect_dma semaphore(%arg21 : memref<!tpu.dma_semaphore, #tpu.memory_space<semaphore_mem>>) src(%dma_wait3A_113 : memref<1000001x16xf32, #tpu.memory_space<hbm>>) dst(%arg15 : memref<1024x16xf32, #tpu.memory_space<vmem>>)
    %add3A_114 = arith.constant 4096 : i32
    %add3A_115 = arith.addi %mul3A_2, %add3A_114 : i32
    %dma_start3A_116 = arith.constant 0 : i32
    %dma_start3A_117 = tpu.memref_slice %arg4[%add3A_115, %dma_start3A_116] : memref<425984x16xf32, #tpu.memory_space<hbm>> -> memref<1024x16xf32, #tpu.memory_space<hbm>>
    %dma_start3A_118 = arith.constant 0 : i32
    %dma_start3A_119 = tpu.memref_slice %arg4[%add3A_115, %dma_start3A_118] : memref<425984x16xf32, #tpu.memory_space<hbm>> -> memref<1024x16xf32, #tpu.memory_space<hbm>>
    tpu.enqueue_dma source(%arg15 : memref<1024x16xf32, #tpu.memory_space<vmem>>) target(%dma_start3A_119 : memref<1024x16xf32, #tpu.memory_space<hbm>>) target_semaphore(%arg27 : memref<!tpu.dma_semaphore, #tpu.memory_space<semaphore_mem>>)
    %add3A_120 = arith.constant 4096 : i32
    %add3A_121 = arith.addi %mul3A_2, %add3A_120 : i32
    %dma_wait3A_122 = arith.constant 0 : i32
    %dma_wait3A_123 = tpu.memref_slice %arg4[%add3A_121, %dma_wait3A_122] : memref<425984x16xf32, #tpu.memory_space<hbm>> -> memref<1024x16xf32, #tpu.memory_space<hbm>>
    %dma_wait3A_124 = arith.constant 0 : i32
    %dma_wait3A_125 = tpu.memref_slice %arg4[%add3A_121, %dma_wait3A_124] : memref<425984x16xf32, #tpu.memory_space<hbm>> -> memref<1024x16xf32, #tpu.memory_space<hbm>>
    tpu.wait_dma2 semaphore(%arg27 : memref<!tpu.dma_semaphore, #tpu.memory_space<semaphore_mem>>) src(%arg15 : memref<1024x16xf32, #tpu.memory_space<vmem>>) dst(%dma_wait3A_125 : memref<1024x16xf32, #tpu.memory_space<hbm>>)
    %add3A_126 = arith.constant 10240 : i32
    %add3A_127 = arith.addi %mul3A_2, %add3A_126 : i32
    "tpu.region"() ({
      %run_scoped3A = tpu.sem_alloc : memref<!tpu.dma_semaphore, #tpu.memory_space<semaphore_mem>>
      %dma_start3A_261 = tpu.memref_slice %arg3[%add3A_127] : memref<425984xi32, #tpu.memory_space<hbm>> -> memref<1024xi32, #tpu.memory_space<hbm>>
      %dma_start3A_262 = tpu.memref_slice %arg3[%add3A_127] : memref<425984xi32, #tpu.memory_space<hbm>> -> memref<1024xi32, #tpu.memory_space<hbm>>
      tpu.enqueue_dma source(%dma_start3A_262 : memref<1024xi32, #tpu.memory_space<hbm>>) target(%arg9 : memref<1024xi32, #tpu.memory_space<vmem>>) target_semaphore(%run_scoped3A : memref<!tpu.dma_semaphore, #tpu.memory_space<semaphore_mem>>)
      %dma_wait3A_263 = tpu.memref_slice %arg3[%add3A_127] : memref<425984xi32, #tpu.memory_space<hbm>> -> memref<1024xi32, #tpu.memory_space<hbm>>
      %dma_wait3A_264 = tpu.memref_slice %arg3[%add3A_127] : memref<425984xi32, #tpu.memory_space<hbm>> -> memref<1024xi32, #tpu.memory_space<hbm>>
      tpu.wait_dma2 semaphore(%run_scoped3A : memref<!tpu.dma_semaphore, #tpu.memory_space<semaphore_mem>>) src(%dma_wait3A_264 : memref<1024xi32, #tpu.memory_space<hbm>>) dst(%arg9 : memref<1024xi32, #tpu.memory_space<vmem>>)
      tpu.yield
    }) : () -> ()
    %dma_start3A_128 = arith.constant 0 : i32
    %dma_start3A_129 = arith.constant 0 : i32
    %dma_start3A_130 = tpu.memref_slice %arg2[%dma_start3A_128, %dma_start3A_129] : memref<1000001x16xf32, #tpu.memory_space<hbm>> -> memref<1000001x16xf32, #tpu.memory_space<hbm>>
    tpu.enqueue_indirect_dma source(%dma_start3A_130 : memref<1000001x16xf32, #tpu.memory_space<hbm>>) target(%arg15 : memref<1024x16xf32, #tpu.memory_space<vmem>>) offsets(%arg9 : memref<1024xi32, #tpu.memory_space<vmem>>) semaphore(%arg21 : memref<!tpu.dma_semaphore, #tpu.memory_space<semaphore_mem>>)
    %dma_wait3A_131 = arith.constant 0 : i32
    %dma_wait3A_132 = arith.constant 0 : i32
    %dma_wait3A_133 = tpu.memref_slice %arg2[%dma_wait3A_131, %dma_wait3A_132] : memref<1000001x16xf32, #tpu.memory_space<hbm>> -> memref<1000001x16xf32, #tpu.memory_space<hbm>>
    tpu.wait_indirect_dma semaphore(%arg22 : memref<!tpu.dma_semaphore, #tpu.memory_space<semaphore_mem>>) src(%dma_wait3A_133 : memref<1000001x16xf32, #tpu.memory_space<hbm>>) dst(%arg16 : memref<1024x16xf32, #tpu.memory_space<vmem>>)
    %add3A_134 = arith.constant 5120 : i32
    %add3A_135 = arith.addi %mul3A_2, %add3A_134 : i32
    %dma_start3A_136 = arith.constant 0 : i32
    %dma_start3A_137 = tpu.memref_slice %arg4[%add3A_135, %dma_start3A_136] : memref<425984x16xf32, #tpu.memory_space<hbm>> -> memref<1024x16xf32, #tpu.memory_space<hbm>>
    %dma_start3A_138 = arith.constant 0 : i32
    %dma_start3A_139 = tpu.memref_slice %arg4[%add3A_135, %dma_start3A_138] : memref<425984x16xf32, #tpu.memory_space<hbm>> -> memref<1024x16xf32, #tpu.memory_space<hbm>>
    tpu.enqueue_dma source(%arg16 : memref<1024x16xf32, #tpu.memory_space<vmem>>) target(%dma_start3A_139 : memref<1024x16xf32, #tpu.memory_space<hbm>>) target_semaphore(%arg28 : memref<!tpu.dma_semaphore, #tpu.memory_space<semaphore_mem>>)
    %add3A_140 = arith.constant 5120 : i32
    %add3A_141 = arith.addi %mul3A_2, %add3A_140 : i32
    %dma_wait3A_142 = arith.constant 0 : i32
    %dma_wait3A_143 = tpu.memref_slice %arg4[%add3A_141, %dma_wait3A_142] : memref<425984x16xf32, #tpu.memory_space<hbm>> -> memref<1024x16xf32, #tpu.memory_space<hbm>>
    %dma_wait3A_144 = arith.constant 0 : i32
    %dma_wait3A_145 = tpu.memref_slice %arg4[%add3A_141, %dma_wait3A_144] : memref<425984x16xf32, #tpu.memory_space<hbm>> -> memref<1024x16xf32, #tpu.memory_space<hbm>>
    tpu.wait_dma2 semaphore(%arg28 : memref<!tpu.dma_semaphore, #tpu.memory_space<semaphore_mem>>) src(%arg16 : memref<1024x16xf32, #tpu.memory_space<vmem>>) dst(%dma_wait3A_145 : memref<1024x16xf32, #tpu.memory_space<hbm>>)
    %add3A_146 = arith.constant 11264 : i32
    %add3A_147 = arith.addi %mul3A_2, %add3A_146 : i32
    "tpu.region"() ({
      %run_scoped3A = tpu.sem_alloc : memref<!tpu.dma_semaphore, #tpu.memory_space<semaphore_mem>>
      %dma_start3A_261 = tpu.memref_slice %arg3[%add3A_147] : memref<425984xi32, #tpu.memory_space<hbm>> -> memref<1024xi32, #tpu.memory_space<hbm>>
      %dma_start3A_262 = tpu.memref_slice %arg3[%add3A_147] : memref<425984xi32, #tpu.memory_space<hbm>> -> memref<1024xi32, #tpu.memory_space<hbm>>
      tpu.enqueue_dma source(%dma_start3A_262 : memref<1024xi32, #tpu.memory_space<hbm>>) target(%arg10 : memref<1024xi32, #tpu.memory_space<vmem>>) target_semaphore(%run_scoped3A : memref<!tpu.dma_semaphore, #tpu.memory_space<semaphore_mem>>)
      %dma_wait3A_263 = tpu.memref_slice %arg3[%add3A_147] : memref<425984xi32, #tpu.memory_space<hbm>> -> memref<1024xi32, #tpu.memory_space<hbm>>
      %dma_wait3A_264 = tpu.memref_slice %arg3[%add3A_147] : memref<425984xi32, #tpu.memory_space<hbm>> -> memref<1024xi32, #tpu.memory_space<hbm>>
      tpu.wait_dma2 semaphore(%run_scoped3A : memref<!tpu.dma_semaphore, #tpu.memory_space<semaphore_mem>>) src(%dma_wait3A_264 : memref<1024xi32, #tpu.memory_space<hbm>>) dst(%arg10 : memref<1024xi32, #tpu.memory_space<vmem>>)
      tpu.yield
    }) : () -> ()
    %dma_start3A_148 = arith.constant 0 : i32
    %dma_start3A_149 = arith.constant 0 : i32
    %dma_start3A_150 = tpu.memref_slice %arg2[%dma_start3A_148, %dma_start3A_149] : memref<1000001x16xf32, #tpu.memory_space<hbm>> -> memref<1000001x16xf32, #tpu.memory_space<hbm>>
    tpu.enqueue_indirect_dma source(%dma_start3A_150 : memref<1000001x16xf32, #tpu.memory_space<hbm>>) target(%arg16 : memref<1024x16xf32, #tpu.memory_space<vmem>>) offsets(%arg10 : memref<1024xi32, #tpu.memory_space<vmem>>) semaphore(%arg22 : memref<!tpu.dma_semaphore, #tpu.memory_space<semaphore_mem>>)
    %dma_wait3A_151 = arith.constant 0 : i32
    %dma_wait3A_152 = arith.constant 0 : i32
    %dma_wait3A_153 = tpu.memref_slice %arg2[%dma_wait3A_151, %dma_wait3A_152] : memref<1000001x16xf32, #tpu.memory_space<hbm>> -> memref<1000001x16xf32, #tpu.memory_space<hbm>>
    tpu.wait_indirect_dma semaphore(%arg17 : memref<!tpu.dma_semaphore, #tpu.memory_space<semaphore_mem>>) src(%dma_wait3A_153 : memref<1000001x16xf32, #tpu.memory_space<hbm>>) dst(%arg11 : memref<1024x16xf32, #tpu.memory_space<vmem>>)
    %add3A_154 = arith.constant 6144 : i32
    %add3A_155 = arith.addi %mul3A_2, %add3A_154 : i32
    %dma_start3A_156 = arith.constant 0 : i32
    %dma_start3A_157 = tpu.memref_slice %arg4[%add3A_155, %dma_start3A_156] : memref<425984x16xf32, #tpu.memory_space<hbm>> -> memref<1024x16xf32, #tpu.memory_space<hbm>>
    %dma_start3A_158 = arith.constant 0 : i32
    %dma_start3A_159 = tpu.memref_slice %arg4[%add3A_155, %dma_start3A_158] : memref<425984x16xf32, #tpu.memory_space<hbm>> -> memref<1024x16xf32, #tpu.memory_space<hbm>>
    tpu.enqueue_dma source(%arg11 : memref<1024x16xf32, #tpu.memory_space<vmem>>) target(%dma_start3A_159 : memref<1024x16xf32, #tpu.memory_space<hbm>>) target_semaphore(%arg23 : memref<!tpu.dma_semaphore, #tpu.memory_space<semaphore_mem>>)
    %add3A_160 = arith.constant 6144 : i32
    %add3A_161 = arith.addi %mul3A_2, %add3A_160 : i32
    %dma_wait3A_162 = arith.constant 0 : i32
    %dma_wait3A_163 = tpu.memref_slice %arg4[%add3A_161, %dma_wait3A_162] : memref<425984x16xf32, #tpu.memory_space<hbm>> -> memref<1024x16xf32, #tpu.memory_space<hbm>>
    %dma_wait3A_164 = arith.constant 0 : i32
    %dma_wait3A_165 = tpu.memref_slice %arg4[%add3A_161, %dma_wait3A_164] : memref<425984x16xf32, #tpu.memory_space<hbm>> -> memref<1024x16xf32, #tpu.memory_space<hbm>>
    tpu.wait_dma2 semaphore(%arg23 : memref<!tpu.dma_semaphore, #tpu.memory_space<semaphore_mem>>) src(%arg11 : memref<1024x16xf32, #tpu.memory_space<vmem>>) dst(%dma_wait3A_165 : memref<1024x16xf32, #tpu.memory_space<hbm>>)
    %add3A_166 = arith.constant 12288 : i32
    %add3A_167 = arith.addi %mul3A_2, %add3A_166 : i32
    "tpu.region"() ({
      %run_scoped3A = tpu.sem_alloc : memref<!tpu.dma_semaphore, #tpu.memory_space<semaphore_mem>>
      %dma_start3A_261 = tpu.memref_slice %arg3[%add3A_167] : memref<425984xi32, #tpu.memory_space<hbm>> -> memref<1024xi32, #tpu.memory_space<hbm>>
      %dma_start3A_262 = tpu.memref_slice %arg3[%add3A_167] : memref<425984xi32, #tpu.memory_space<hbm>> -> memref<1024xi32, #tpu.memory_space<hbm>>
      tpu.enqueue_dma source(%dma_start3A_262 : memref<1024xi32, #tpu.memory_space<hbm>>) target(%arg5 : memref<1024xi32, #tpu.memory_space<vmem>>) target_semaphore(%run_scoped3A : memref<!tpu.dma_semaphore, #tpu.memory_space<semaphore_mem>>)
      %dma_wait3A_263 = tpu.memref_slice %arg3[%add3A_167] : memref<425984xi32, #tpu.memory_space<hbm>> -> memref<1024xi32, #tpu.memory_space<hbm>>
      %dma_wait3A_264 = tpu.memref_slice %arg3[%add3A_167] : memref<425984xi32, #tpu.memory_space<hbm>> -> memref<1024xi32, #tpu.memory_space<hbm>>
      tpu.wait_dma2 semaphore(%run_scoped3A : memref<!tpu.dma_semaphore, #tpu.memory_space<semaphore_mem>>) src(%dma_wait3A_264 : memref<1024xi32, #tpu.memory_space<hbm>>) dst(%arg5 : memref<1024xi32, #tpu.memory_space<vmem>>)
      tpu.yield
    }) : () -> ()
    %dma_start3A_168 = arith.constant 0 : i32
    %dma_start3A_169 = arith.constant 0 : i32
    %dma_start3A_170 = tpu.memref_slice %arg2[%dma_start3A_168, %dma_start3A_169] : memref<1000001x16xf32, #tpu.memory_space<hbm>> -> memref<1000001x16xf32, #tpu.memory_space<hbm>>
    tpu.enqueue_indirect_dma source(%dma_start3A_170 : memref<1000001x16xf32, #tpu.memory_space<hbm>>) target(%arg11 : memref<1024x16xf32, #tpu.memory_space<vmem>>) offsets(%arg5 : memref<1024xi32, #tpu.memory_space<vmem>>) semaphore(%arg17 : memref<!tpu.dma_semaphore, #tpu.memory_space<semaphore_mem>>)
    %dma_wait3A_171 = arith.constant 0 : i32
    %dma_wait3A_172 = arith.constant 0 : i32
    %dma_wait3A_173 = tpu.memref_slice %arg2[%dma_wait3A_171, %dma_wait3A_172] : memref<1000001x16xf32, #tpu.memory_space<hbm>> -> memref<1000001x16xf32, #tpu.memory_space<hbm>>
    tpu.wait_indirect_dma semaphore(%arg18 : memref<!tpu.dma_semaphore, #tpu.memory_space<semaphore_mem>>) src(%dma_wait3A_173 : memref<1000001x16xf32, #tpu.memory_space<hbm>>) dst(%arg12 : memref<1024x16xf32, #tpu.memory_space<vmem>>)
    %add3A_174 = arith.constant 7168 : i32
    %add3A_175 = arith.addi %mul3A_2, %add3A_174 : i32
    %dma_start3A_176 = arith.constant 0 : i32
    %dma_start3A_177 = tpu.memref_slice %arg4[%add3A_175, %dma_start3A_176] : memref<425984x16xf32, #tpu.memory_space<hbm>> -> memref<1024x16xf32, #tpu.memory_space<hbm>>
    %dma_start3A_178 = arith.constant 0 : i32
    %dma_start3A_179 = tpu.memref_slice %arg4[%add3A_175, %dma_start3A_178] : memref<425984x16xf32, #tpu.memory_space<hbm>> -> memref<1024x16xf32, #tpu.memory_space<hbm>>
    tpu.enqueue_dma source(%arg12 : memref<1024x16xf32, #tpu.memory_space<vmem>>) target(%dma_start3A_179 : memref<1024x16xf32, #tpu.memory_space<hbm>>) target_semaphore(%arg24 : memref<!tpu.dma_semaphore, #tpu.memory_space<semaphore_mem>>)
    %dma_wait3A_180 = arith.constant 0 : i32
    %dma_wait3A_181 = arith.constant 0 : i32
    %dma_wait3A_182 = tpu.memref_slice %arg2[%dma_wait3A_180, %dma_wait3A_181] : memref<1000001x16xf32, #tpu.memory_space<hbm>> -> memref<1000001x16xf32, #tpu.memory_space<hbm>>
    tpu.wait_indirect_dma semaphore(%arg19 : memref<!tpu.dma_semaphore, #tpu.memory_space<semaphore_mem>>) src(%dma_wait3A_182 : memref<1000001x16xf32, #tpu.memory_space<hbm>>) dst(%arg13 : memref<1024x16xf32, #tpu.memory_space<vmem>>)
    %add3A_183 = arith.constant 8192 : i32
    %add3A_184 = arith.addi %mul3A_2, %add3A_183 : i32
    %dma_start3A_185 = arith.constant 0 : i32
    %dma_start3A_186 = tpu.memref_slice %arg4[%add3A_184, %dma_start3A_185] : memref<425984x16xf32, #tpu.memory_space<hbm>> -> memref<1024x16xf32, #tpu.memory_space<hbm>>
    %dma_start3A_187 = arith.constant 0 : i32
    %dma_start3A_188 = tpu.memref_slice %arg4[%add3A_184, %dma_start3A_187] : memref<425984x16xf32, #tpu.memory_space<hbm>> -> memref<1024x16xf32, #tpu.memory_space<hbm>>
    tpu.enqueue_dma source(%arg13 : memref<1024x16xf32, #tpu.memory_space<vmem>>) target(%dma_start3A_188 : memref<1024x16xf32, #tpu.memory_space<hbm>>) target_semaphore(%arg25 : memref<!tpu.dma_semaphore, #tpu.memory_space<semaphore_mem>>)
    %dma_wait3A_189 = arith.constant 0 : i32
    %dma_wait3A_190 = arith.constant 0 : i32
    %dma_wait3A_191 = tpu.memref_slice %arg2[%dma_wait3A_189, %dma_wait3A_190] : memref<1000001x16xf32, #tpu.memory_space<hbm>> -> memref<1000001x16xf32, #tpu.memory_space<hbm>>
    tpu.wait_indirect_dma semaphore(%arg20 : memref<!tpu.dma_semaphore, #tpu.memory_space<semaphore_mem>>) src(%dma_wait3A_191 : memref<1000001x16xf32, #tpu.memory_space<hbm>>) dst(%arg14 : memref<1024x16xf32, #tpu.memory_space<vmem>>)
    %add3A_192 = arith.constant 9216 : i32
    %add3A_193 = arith.addi %mul3A_2, %add3A_192 : i32
    %dma_start3A_194 = arith.constant 0 : i32
    %dma_start3A_195 = tpu.memref_slice %arg4[%add3A_193, %dma_start3A_194] : memref<425984x16xf32, #tpu.memory_space<hbm>> -> memref<1024x16xf32, #tpu.memory_space<hbm>>
    %dma_start3A_196 = arith.constant 0 : i32
    %dma_start3A_197 = tpu.memref_slice %arg4[%add3A_193, %dma_start3A_196] : memref<425984x16xf32, #tpu.memory_space<hbm>> -> memref<1024x16xf32, #tpu.memory_space<hbm>>
    tpu.enqueue_dma source(%arg14 : memref<1024x16xf32, #tpu.memory_space<vmem>>) target(%dma_start3A_197 : memref<1024x16xf32, #tpu.memory_space<hbm>>) target_semaphore(%arg26 : memref<!tpu.dma_semaphore, #tpu.memory_space<semaphore_mem>>)
    %dma_wait3A_198 = arith.constant 0 : i32
    %dma_wait3A_199 = arith.constant 0 : i32
    %dma_wait3A_200 = tpu.memref_slice %arg2[%dma_wait3A_198, %dma_wait3A_199] : memref<1000001x16xf32, #tpu.memory_space<hbm>> -> memref<1000001x16xf32, #tpu.memory_space<hbm>>
    tpu.wait_indirect_dma semaphore(%arg21 : memref<!tpu.dma_semaphore, #tpu.memory_space<semaphore_mem>>) src(%dma_wait3A_200 : memref<1000001x16xf32, #tpu.memory_space<hbm>>) dst(%arg15 : memref<1024x16xf32, #tpu.memory_space<vmem>>)
    %add3A_201 = arith.constant 10240 : i32
    %add3A_202 = arith.addi %mul3A_2, %add3A_201 : i32
    %dma_start3A_203 = arith.constant 0 : i32
    %dma_start3A_204 = tpu.memref_slice %arg4[%add3A_202, %dma_start3A_203] : memref<425984x16xf32, #tpu.memory_space<hbm>> -> memref<1024x16xf32, #tpu.memory_space<hbm>>
    %dma_start3A_205 = arith.constant 0 : i32
    %dma_start3A_206 = tpu.memref_slice %arg4[%add3A_202, %dma_start3A_205] : memref<425984x16xf32, #tpu.memory_space<hbm>> -> memref<1024x16xf32, #tpu.memory_space<hbm>>
    tpu.enqueue_dma source(%arg15 : memref<1024x16xf32, #tpu.memory_space<vmem>>) target(%dma_start3A_206 : memref<1024x16xf32, #tpu.memory_space<hbm>>) target_semaphore(%arg27 : memref<!tpu.dma_semaphore, #tpu.memory_space<semaphore_mem>>)
    %dma_wait3A_207 = arith.constant 0 : i32
    %dma_wait3A_208 = arith.constant 0 : i32
    %dma_wait3A_209 = tpu.memref_slice %arg2[%dma_wait3A_207, %dma_wait3A_208] : memref<1000001x16xf32, #tpu.memory_space<hbm>> -> memref<1000001x16xf32, #tpu.memory_space<hbm>>
    tpu.wait_indirect_dma semaphore(%arg22 : memref<!tpu.dma_semaphore, #tpu.memory_space<semaphore_mem>>) src(%dma_wait3A_209 : memref<1000001x16xf32, #tpu.memory_space<hbm>>) dst(%arg16 : memref<1024x16xf32, #tpu.memory_space<vmem>>)
    %add3A_210 = arith.constant 11264 : i32
    %add3A_211 = arith.addi %mul3A_2, %add3A_210 : i32
    %dma_start3A_212 = arith.constant 0 : i32
    %dma_start3A_213 = tpu.memref_slice %arg4[%add3A_211, %dma_start3A_212] : memref<425984x16xf32, #tpu.memory_space<hbm>> -> memref<1024x16xf32, #tpu.memory_space<hbm>>
    %dma_start3A_214 = arith.constant 0 : i32
    %dma_start3A_215 = tpu.memref_slice %arg4[%add3A_211, %dma_start3A_214] : memref<425984x16xf32, #tpu.memory_space<hbm>> -> memref<1024x16xf32, #tpu.memory_space<hbm>>
    tpu.enqueue_dma source(%arg16 : memref<1024x16xf32, #tpu.memory_space<vmem>>) target(%dma_start3A_215 : memref<1024x16xf32, #tpu.memory_space<hbm>>) target_semaphore(%arg28 : memref<!tpu.dma_semaphore, #tpu.memory_space<semaphore_mem>>)
    %dma_wait3A_216 = arith.constant 0 : i32
    %dma_wait3A_217 = arith.constant 0 : i32
    %dma_wait3A_218 = tpu.memref_slice %arg2[%dma_wait3A_216, %dma_wait3A_217] : memref<1000001x16xf32, #tpu.memory_space<hbm>> -> memref<1000001x16xf32, #tpu.memory_space<hbm>>
    tpu.wait_indirect_dma semaphore(%arg17 : memref<!tpu.dma_semaphore, #tpu.memory_space<semaphore_mem>>) src(%dma_wait3A_218 : memref<1000001x16xf32, #tpu.memory_space<hbm>>) dst(%arg11 : memref<1024x16xf32, #tpu.memory_space<vmem>>)
    %add3A_219 = arith.constant 12288 : i32
    %add3A_220 = arith.addi %mul3A_2, %add3A_219 : i32
    %dma_start3A_221 = arith.constant 0 : i32
    %dma_start3A_222 = tpu.memref_slice %arg4[%add3A_220, %dma_start3A_221] : memref<425984x16xf32, #tpu.memory_space<hbm>> -> memref<1024x16xf32, #tpu.memory_space<hbm>>
    %dma_start3A_223 = arith.constant 0 : i32
    %dma_start3A_224 = tpu.memref_slice %arg4[%add3A_220, %dma_start3A_223] : memref<425984x16xf32, #tpu.memory_space<hbm>> -> memref<1024x16xf32, #tpu.memory_space<hbm>>
    tpu.enqueue_dma source(%arg11 : memref<1024x16xf32, #tpu.memory_space<vmem>>) target(%dma_start3A_224 : memref<1024x16xf32, #tpu.memory_space<hbm>>) target_semaphore(%arg23 : memref<!tpu.dma_semaphore, #tpu.memory_space<semaphore_mem>>)
    %add3A_225 = arith.constant 7168 : i32
    %add3A_226 = arith.addi %mul3A_2, %add3A_225 : i32
    %dma_wait3A_227 = arith.constant 0 : i32
    %dma_wait3A_228 = tpu.memref_slice %arg4[%add3A_226, %dma_wait3A_227] : memref<425984x16xf32, #tpu.memory_space<hbm>> -> memref<1024x16xf32, #tpu.memory_space<hbm>>
    %dma_wait3A_229 = arith.constant 0 : i32
    %dma_wait3A_230 = tpu.memref_slice %arg4[%add3A_226, %dma_wait3A_229] : memref<425984x16xf32, #tpu.memory_space<hbm>> -> memref<1024x16xf32, #tpu.memory_space<hbm>>
    tpu.wait_dma2 semaphore(%arg24 : memref<!tpu.dma_semaphore, #tpu.memory_space<semaphore_mem>>) src(%arg12 : memref<1024x16xf32, #tpu.memory_space<vmem>>) dst(%dma_wait3A_230 : memref<1024x16xf32, #tpu.memory_space<hbm>>)
    %add3A_231 = arith.constant 8192 : i32
    %add3A_232 = arith.addi %mul3A_2, %add3A_231 : i32
    %dma_wait3A_233 = arith.constant 0 : i32
    %dma_wait3A_234 = tpu.memref_slice %arg4[%add3A_232, %dma_wait3A_233] : memref<425984x16xf32, #tpu.memory_space<hbm>> -> memref<1024x16xf32, #tpu.memory_space<hbm>>
    %dma_wait3A_235 = arith.constant 0 : i32
    %dma_wait3A_236 = tpu.memref_slice %arg4[%add3A_232, %dma_wait3A_235] : memref<425984x16xf32, #tpu.memory_space<hbm>> -> memref<1024x16xf32, #tpu.memory_space<hbm>>
    tpu.wait_dma2 semaphore(%arg25 : memref<!tpu.dma_semaphore, #tpu.memory_space<semaphore_mem>>) src(%arg13 : memref<1024x16xf32, #tpu.memory_space<vmem>>) dst(%dma_wait3A_236 : memref<1024x16xf32, #tpu.memory_space<hbm>>)
    %add3A_237 = arith.constant 9216 : i32
    %add3A_238 = arith.addi %mul3A_2, %add3A_237 : i32
    %dma_wait3A_239 = arith.constant 0 : i32
    %dma_wait3A_240 = tpu.memref_slice %arg4[%add3A_238, %dma_wait3A_239] : memref<425984x16xf32, #tpu.memory_space<hbm>> -> memref<1024x16xf32, #tpu.memory_space<hbm>>
    %dma_wait3A_241 = arith.constant 0 : i32
    %dma_wait3A_242 = tpu.memref_slice %arg4[%add3A_238, %dma_wait3A_241] : memref<425984x16xf32, #tpu.memory_space<hbm>> -> memref<1024x16xf32, #tpu.memory_space<hbm>>
    tpu.wait_dma2 semaphore(%arg26 : memref<!tpu.dma_semaphore, #tpu.memory_space<semaphore_mem>>) src(%arg14 : memref<1024x16xf32, #tpu.memory_space<vmem>>) dst(%dma_wait3A_242 : memref<1024x16xf32, #tpu.memory_space<hbm>>)
    %add3A_243 = arith.constant 10240 : i32
    %add3A_244 = arith.addi %mul3A_2, %add3A_243 : i32
    %dma_wait3A_245 = arith.constant 0 : i32
    %dma_wait3A_246 = tpu.memref_slice %arg4[%add3A_244, %dma_wait3A_245] : memref<425984x16xf32, #tpu.memory_space<hbm>> -> memref<1024x16xf32, #tpu.memory_space<hbm>>
    %dma_wait3A_247 = arith.constant 0 : i32
    %dma_wait3A_248 = tpu.memref_slice %arg4[%add3A_244, %dma_wait3A_247] : memref<425984x16xf32, #tpu.memory_space<hbm>> -> memref<1024x16xf32, #tpu.memory_space<hbm>>
    tpu.wait_dma2 semaphore(%arg27 : memref<!tpu.dma_semaphore, #tpu.memory_space<semaphore_mem>>) src(%arg15 : memref<1024x16xf32, #tpu.memory_space<vmem>>) dst(%dma_wait3A_248 : memref<1024x16xf32, #tpu.memory_space<hbm>>)
    %add3A_249 = arith.constant 11264 : i32
    %add3A_250 = arith.addi %mul3A_2, %add3A_249 : i32
    %dma_wait3A_251 = arith.constant 0 : i32
    %dma_wait3A_252 = tpu.memref_slice %arg4[%add3A_250, %dma_wait3A_251] : memref<425984x16xf32, #tpu.memory_space<hbm>> -> memref<1024x16xf32, #tpu.memory_space<hbm>>
    %dma_wait3A_253 = arith.constant 0 : i32
    %dma_wait3A_254 = tpu.memref_slice %arg4[%add3A_250, %dma_wait3A_253] : memref<425984x16xf32, #tpu.memory_space<hbm>> -> memref<1024x16xf32, #tpu.memory_space<hbm>>
    tpu.wait_dma2 semaphore(%arg28 : memref<!tpu.dma_semaphore, #tpu.memory_space<semaphore_mem>>) src(%arg16 : memref<1024x16xf32, #tpu.memory_space<vmem>>) dst(%dma_wait3A_254 : memref<1024x16xf32, #tpu.memory_space<hbm>>)
    %add3A_255 = arith.constant 12288 : i32
    %add3A_256 = arith.addi %mul3A_2, %add3A_255 : i32
    %dma_wait3A_257 = arith.constant 0 : i32
    %dma_wait3A_258 = tpu.memref_slice %arg4[%add3A_256, %dma_wait3A_257] : memref<425984x16xf32, #tpu.memory_space<hbm>> -> memref<1024x16xf32, #tpu.memory_space<hbm>>
    %dma_wait3A_259 = arith.constant 0 : i32
    %dma_wait3A_260 = tpu.memref_slice %arg4[%add3A_256, %dma_wait3A_259] : memref<425984x16xf32, #tpu.memory_space<hbm>> -> memref<1024x16xf32, #tpu.memory_space<hbm>>
    tpu.wait_dma2 semaphore(%arg23 : memref<!tpu.dma_semaphore, #tpu.memory_space<semaphore_mem>>) src(%arg11 : memref<1024x16xf32, #tpu.memory_space<vmem>>) dst(%dma_wait3A_260 : memref<1024x16xf32, #tpu.memory_space<hbm>>)
    return
  }
}

module attributes {stable_mosaic.version = 14 : i64} {
  func.func @_mm_kernel(%arg0: i32, %arg1: memref<6656x128xf32, #tpu.memory_space<vmem>>, %arg2: memref<13x128x64xf32, #tpu.memory_space<vmem>>, %arg3: memref<1x64xf32, #tpu.memory_space<vmem>>, %arg4: memref<2048x16xf32, #tpu.memory_space<vmem>>) attributes {dimension_semantics = [#tpu.dimension_semantics<arbitrary>], iteration_bounds = array<i64: 8>, scalar_prefetch = 0 : i64, scratch_operands = 0 : i64, tpu.core_type = #tpu.core_type<tc>, window_params = [{transform_indices = @transform_0, window_bounds = array<i64: 6656, 128>}, {pipeline_mode = #tpu.pipeline_mode<synchronous>, transform_indices = @transform_1, window_bounds = array<i64: 13, 128, 64>}, {pipeline_mode = #tpu.pipeline_mode<synchronous>, transform_indices = @transform_2, window_bounds = array<i64: 1, 64>}, {transform_indices = @transform_3, window_bounds = array<i64: 2048, 16>}]} {
    %broadcast_in_dim3A = arith.constant 0.000000e+00 : f32
    %broadcast_in_dim3A_0 = vector.broadcast %broadcast_in_dim3A : f32 to vector<512x64xf32>
    %get3A = arith.constant 0 : index
    %get3A_1 = arith.constant 0 : index
    %get3A_2 = tpu.strided_load %arg1[%get3A, %get3A_1] {strides = array<i32: 13, 1>} : memref<6656x128xf32, #tpu.memory_space<vmem>>, vector<512x128xf32>
    %get3A_3 = arith.constant 0 : index
    %get3A_4 = arith.constant 0 : index
    %get3A_5 = arith.constant 0 : index
    %get3A_6 = vector.load %arg2[%get3A_3, %get3A_4, %get3A_5] : memref<13x128x64xf32, #tpu.memory_space<vmem>>, vector<1x128x64xf32>
    %get3A_7 = vector.shape_cast %get3A_6 : vector<1x128x64xf32> to vector<128x64xf32>
    %dot_general3A = arith.constant dense<0.000000e+00> : vector<512x64xf32>
    %dot_general3A_8 = tpu.matmul %get3A_2, %get3A_7, %dot_general3A {dimension_numbers = #tpu.dot_dimension_numbers<[1], [0], [0], [1], [0, 0, 1, 1], [], []>, transpose_lhs_hint = false} : vector<512x128xf32>, vector<128x64xf32>, vector<512x64xf32> -> vector<512x64xf32>
    %add3A = arith.addf %broadcast_in_dim3A_0, %dot_general3A_8 : vector<512x64xf32>
    %get3A_9 = arith.constant 1 : index
    %get3A_10 = arith.constant 0 : index
    %get3A_11 = tpu.strided_load %arg1[%get3A_9, %get3A_10] {strides = array<i32: 13, 1>} : memref<6656x128xf32, #tpu.memory_space<vmem>>, vector<512x128xf32>
    %get3A_12 = arith.constant 1 : index
    %get3A_13 = arith.constant 0 : index
    %get3A_14 = arith.constant 0 : index
    %get3A_15 = vector.load %arg2[%get3A_12, %get3A_13, %get3A_14] : memref<13x128x64xf32, #tpu.memory_space<vmem>>, vector<1x128x64xf32>
    %get3A_16 = vector.shape_cast %get3A_15 : vector<1x128x64xf32> to vector<128x64xf32>
    %dot_general3A_17 = arith.constant dense<0.000000e+00> : vector<512x64xf32>
    %dot_general3A_18 = tpu.matmul %get3A_11, %get3A_16, %dot_general3A_17 {dimension_numbers = #tpu.dot_dimension_numbers<[1], [0], [0], [1], [0, 0, 1, 1], [], []>, transpose_lhs_hint = false} : vector<512x128xf32>, vector<128x64xf32>, vector<512x64xf32> -> vector<512x64xf32>
    %add3A_19 = arith.addf %add3A, %dot_general3A_18 : vector<512x64xf32>
    %get3A_20 = arith.constant 2 : index
    %get3A_21 = arith.constant 0 : index
    %get3A_22 = tpu.strided_load %arg1[%get3A_20, %get3A_21] {strides = array<i32: 13, 1>} : memref<6656x128xf32, #tpu.memory_space<vmem>>, vector<512x128xf32>
    %get3A_23 = arith.constant 2 : index
    %get3A_24 = arith.constant 0 : index
    %get3A_25 = arith.constant 0 : index
    %get3A_26 = vector.load %arg2[%get3A_23, %get3A_24, %get3A_25] : memref<13x128x64xf32, #tpu.memory_space<vmem>>, vector<1x128x64xf32>
    %get3A_27 = vector.shape_cast %get3A_26 : vector<1x128x64xf32> to vector<128x64xf32>
    %dot_general3A_28 = arith.constant dense<0.000000e+00> : vector<512x64xf32>
    %dot_general3A_29 = tpu.matmul %get3A_22, %get3A_27, %dot_general3A_28 {dimension_numbers = #tpu.dot_dimension_numbers<[1], [0], [0], [1], [0, 0, 1, 1], [], []>, transpose_lhs_hint = false} : vector<512x128xf32>, vector<128x64xf32>, vector<512x64xf32> -> vector<512x64xf32>
    %add3A_30 = arith.addf %add3A_19, %dot_general3A_29 : vector<512x64xf32>
    %get3A_31 = arith.constant 3 : index
    %get3A_32 = arith.constant 0 : index
    %get3A_33 = tpu.strided_load %arg1[%get3A_31, %get3A_32] {strides = array<i32: 13, 1>} : memref<6656x128xf32, #tpu.memory_space<vmem>>, vector<512x128xf32>
    %get3A_34 = arith.constant 3 : index
    %get3A_35 = arith.constant 0 : index
    %get3A_36 = arith.constant 0 : index
    %get3A_37 = vector.load %arg2[%get3A_34, %get3A_35, %get3A_36] : memref<13x128x64xf32, #tpu.memory_space<vmem>>, vector<1x128x64xf32>
    %get3A_38 = vector.shape_cast %get3A_37 : vector<1x128x64xf32> to vector<128x64xf32>
    %dot_general3A_39 = arith.constant dense<0.000000e+00> : vector<512x64xf32>
    %dot_general3A_40 = tpu.matmul %get3A_33, %get3A_38, %dot_general3A_39 {dimension_numbers = #tpu.dot_dimension_numbers<[1], [0], [0], [1], [0, 0, 1, 1], [], []>, transpose_lhs_hint = false} : vector<512x128xf32>, vector<128x64xf32>, vector<512x64xf32> -> vector<512x64xf32>
    %add3A_41 = arith.addf %add3A_30, %dot_general3A_40 : vector<512x64xf32>
    %get3A_42 = arith.constant 4 : index
    %get3A_43 = arith.constant 0 : index
    %get3A_44 = tpu.strided_load %arg1[%get3A_42, %get3A_43] {strides = array<i32: 13, 1>} : memref<6656x128xf32, #tpu.memory_space<vmem>>, vector<512x128xf32>
    %get3A_45 = arith.constant 4 : index
    %get3A_46 = arith.constant 0 : index
    %get3A_47 = arith.constant 0 : index
    %get3A_48 = vector.load %arg2[%get3A_45, %get3A_46, %get3A_47] : memref<13x128x64xf32, #tpu.memory_space<vmem>>, vector<1x128x64xf32>
    %get3A_49 = vector.shape_cast %get3A_48 : vector<1x128x64xf32> to vector<128x64xf32>
    %dot_general3A_50 = arith.constant dense<0.000000e+00> : vector<512x64xf32>
    %dot_general3A_51 = tpu.matmul %get3A_44, %get3A_49, %dot_general3A_50 {dimension_numbers = #tpu.dot_dimension_numbers<[1], [0], [0], [1], [0, 0, 1, 1], [], []>, transpose_lhs_hint = false} : vector<512x128xf32>, vector<128x64xf32>, vector<512x64xf32> -> vector<512x64xf32>
    %add3A_52 = arith.addf %add3A_41, %dot_general3A_51 : vector<512x64xf32>
    %get3A_53 = arith.constant 5 : index
    %get3A_54 = arith.constant 0 : index
    %get3A_55 = tpu.strided_load %arg1[%get3A_53, %get3A_54] {strides = array<i32: 13, 1>} : memref<6656x128xf32, #tpu.memory_space<vmem>>, vector<512x128xf32>
    %get3A_56 = arith.constant 5 : index
    %get3A_57 = arith.constant 0 : index
    %get3A_58 = arith.constant 0 : index
    %get3A_59 = vector.load %arg2[%get3A_56, %get3A_57, %get3A_58] : memref<13x128x64xf32, #tpu.memory_space<vmem>>, vector<1x128x64xf32>
    %get3A_60 = vector.shape_cast %get3A_59 : vector<1x128x64xf32> to vector<128x64xf32>
    %dot_general3A_61 = arith.constant dense<0.000000e+00> : vector<512x64xf32>
    %dot_general3A_62 = tpu.matmul %get3A_55, %get3A_60, %dot_general3A_61 {dimension_numbers = #tpu.dot_dimension_numbers<[1], [0], [0], [1], [0, 0, 1, 1], [], []>, transpose_lhs_hint = false} : vector<512x128xf32>, vector<128x64xf32>, vector<512x64xf32> -> vector<512x64xf32>
    %add3A_63 = arith.addf %add3A_52, %dot_general3A_62 : vector<512x64xf32>
    %get3A_64 = arith.constant 6 : index
    %get3A_65 = arith.constant 0 : index
    %get3A_66 = tpu.strided_load %arg1[%get3A_64, %get3A_65] {strides = array<i32: 13, 1>} : memref<6656x128xf32, #tpu.memory_space<vmem>>, vector<512x128xf32>
    %get3A_67 = arith.constant 6 : index
    %get3A_68 = arith.constant 0 : index
    %get3A_69 = arith.constant 0 : index
    %get3A_70 = vector.load %arg2[%get3A_67, %get3A_68, %get3A_69] : memref<13x128x64xf32, #tpu.memory_space<vmem>>, vector<1x128x64xf32>
    %get3A_71 = vector.shape_cast %get3A_70 : vector<1x128x64xf32> to vector<128x64xf32>
    %dot_general3A_72 = arith.constant dense<0.000000e+00> : vector<512x64xf32>
    %dot_general3A_73 = tpu.matmul %get3A_66, %get3A_71, %dot_general3A_72 {dimension_numbers = #tpu.dot_dimension_numbers<[1], [0], [0], [1], [0, 0, 1, 1], [], []>, transpose_lhs_hint = false} : vector<512x128xf32>, vector<128x64xf32>, vector<512x64xf32> -> vector<512x64xf32>
    %add3A_74 = arith.addf %add3A_63, %dot_general3A_73 : vector<512x64xf32>
    %get3A_75 = arith.constant 7 : index
    %get3A_76 = arith.constant 0 : index
    %get3A_77 = tpu.strided_load %arg1[%get3A_75, %get3A_76] {strides = array<i32: 13, 1>} : memref<6656x128xf32, #tpu.memory_space<vmem>>, vector<512x128xf32>
    %get3A_78 = arith.constant 7 : index
    %get3A_79 = arith.constant 0 : index
    %get3A_80 = arith.constant 0 : index
    %get3A_81 = vector.load %arg2[%get3A_78, %get3A_79, %get3A_80] : memref<13x128x64xf32, #tpu.memory_space<vmem>>, vector<1x128x64xf32>
    %get3A_82 = vector.shape_cast %get3A_81 : vector<1x128x64xf32> to vector<128x64xf32>
    %dot_general3A_83 = arith.constant dense<0.000000e+00> : vector<512x64xf32>
    %dot_general3A_84 = tpu.matmul %get3A_77, %get3A_82, %dot_general3A_83 {dimension_numbers = #tpu.dot_dimension_numbers<[1], [0], [0], [1], [0, 0, 1, 1], [], []>, transpose_lhs_hint = false} : vector<512x128xf32>, vector<128x64xf32>, vector<512x64xf32> -> vector<512x64xf32>
    %add3A_85 = arith.addf %add3A_74, %dot_general3A_84 : vector<512x64xf32>
    %get3A_86 = arith.constant 8 : index
    %get3A_87 = arith.constant 0 : index
    %get3A_88 = tpu.strided_load %arg1[%get3A_86, %get3A_87] {strides = array<i32: 13, 1>} : memref<6656x128xf32, #tpu.memory_space<vmem>>, vector<512x128xf32>
    %get3A_89 = arith.constant 8 : index
    %get3A_90 = arith.constant 0 : index
    %get3A_91 = arith.constant 0 : index
    %get3A_92 = vector.load %arg2[%get3A_89, %get3A_90, %get3A_91] : memref<13x128x64xf32, #tpu.memory_space<vmem>>, vector<1x128x64xf32>
    %get3A_93 = vector.shape_cast %get3A_92 : vector<1x128x64xf32> to vector<128x64xf32>
    %dot_general3A_94 = arith.constant dense<0.000000e+00> : vector<512x64xf32>
    %dot_general3A_95 = tpu.matmul %get3A_88, %get3A_93, %dot_general3A_94 {dimension_numbers = #tpu.dot_dimension_numbers<[1], [0], [0], [1], [0, 0, 1, 1], [], []>, transpose_lhs_hint = false} : vector<512x128xf32>, vector<128x64xf32>, vector<512x64xf32> -> vector<512x64xf32>
    %add3A_96 = arith.addf %add3A_85, %dot_general3A_95 : vector<512x64xf32>
    %get3A_97 = arith.constant 9 : index
    %get3A_98 = arith.constant 0 : index
    %get3A_99 = tpu.strided_load %arg1[%get3A_97, %get3A_98] {strides = array<i32: 13, 1>} : memref<6656x128xf32, #tpu.memory_space<vmem>>, vector<512x128xf32>
    %get3A_100 = arith.constant 9 : index
    %get3A_101 = arith.constant 0 : index
    %get3A_102 = arith.constant 0 : index
    %get3A_103 = vector.load %arg2[%get3A_100, %get3A_101, %get3A_102] : memref<13x128x64xf32, #tpu.memory_space<vmem>>, vector<1x128x64xf32>
    %get3A_104 = vector.shape_cast %get3A_103 : vector<1x128x64xf32> to vector<128x64xf32>
    %dot_general3A_105 = arith.constant dense<0.000000e+00> : vector<512x64xf32>
    %dot_general3A_106 = tpu.matmul %get3A_99, %get3A_104, %dot_general3A_105 {dimension_numbers = #tpu.dot_dimension_numbers<[1], [0], [0], [1], [0, 0, 1, 1], [], []>, transpose_lhs_hint = false} : vector<512x128xf32>, vector<128x64xf32>, vector<512x64xf32> -> vector<512x64xf32>
    %add3A_107 = arith.addf %add3A_96, %dot_general3A_106 : vector<512x64xf32>
    %get3A_108 = arith.constant 10 : index
    %get3A_109 = arith.constant 0 : index
    %get3A_110 = tpu.strided_load %arg1[%get3A_108, %get3A_109] {strides = array<i32: 13, 1>} : memref<6656x128xf32, #tpu.memory_space<vmem>>, vector<512x128xf32>
    %get3A_111 = arith.constant 10 : index
    %get3A_112 = arith.constant 0 : index
    %get3A_113 = arith.constant 0 : index
    %get3A_114 = vector.load %arg2[%get3A_111, %get3A_112, %get3A_113] : memref<13x128x64xf32, #tpu.memory_space<vmem>>, vector<1x128x64xf32>
    %get3A_115 = vector.shape_cast %get3A_114 : vector<1x128x64xf32> to vector<128x64xf32>
    %dot_general3A_116 = arith.constant dense<0.000000e+00> : vector<512x64xf32>
    %dot_general3A_117 = tpu.matmul %get3A_110, %get3A_115, %dot_general3A_116 {dimension_numbers = #tpu.dot_dimension_numbers<[1], [0], [0], [1], [0, 0, 1, 1], [], []>, transpose_lhs_hint = false} : vector<512x128xf32>, vector<128x64xf32>, vector<512x64xf32> -> vector<512x64xf32>
    %add3A_118 = arith.addf %add3A_107, %dot_general3A_117 : vector<512x64xf32>
    %get3A_119 = arith.constant 11 : index
    %get3A_120 = arith.constant 0 : index
    %get3A_121 = tpu.strided_load %arg1[%get3A_119, %get3A_120] {strides = array<i32: 13, 1>} : memref<6656x128xf32, #tpu.memory_space<vmem>>, vector<512x128xf32>
    %get3A_122 = arith.constant 11 : index
    %get3A_123 = arith.constant 0 : index
    %get3A_124 = arith.constant 0 : index
    %get3A_125 = vector.load %arg2[%get3A_122, %get3A_123, %get3A_124] : memref<13x128x64xf32, #tpu.memory_space<vmem>>, vector<1x128x64xf32>
    %get3A_126 = vector.shape_cast %get3A_125 : vector<1x128x64xf32> to vector<128x64xf32>
    %dot_general3A_127 = arith.constant dense<0.000000e+00> : vector<512x64xf32>
    %dot_general3A_128 = tpu.matmul %get3A_121, %get3A_126, %dot_general3A_127 {dimension_numbers = #tpu.dot_dimension_numbers<[1], [0], [0], [1], [0, 0, 1, 1], [], []>, transpose_lhs_hint = false} : vector<512x128xf32>, vector<128x64xf32>, vector<512x64xf32> -> vector<512x64xf32>
    %add3A_129 = arith.addf %add3A_118, %dot_general3A_128 : vector<512x64xf32>
    %get3A_130 = arith.constant 12 : index
    %get3A_131 = arith.constant 0 : index
    %get3A_132 = tpu.strided_load %arg1[%get3A_130, %get3A_131] {strides = array<i32: 13, 1>} : memref<6656x128xf32, #tpu.memory_space<vmem>>, vector<512x128xf32>
    %get3A_133 = arith.constant 12 : index
    %get3A_134 = arith.constant 0 : index
    %get3A_135 = arith.constant 0 : index
    %get3A_136 = vector.load %arg2[%get3A_133, %get3A_134, %get3A_135] : memref<13x128x64xf32, #tpu.memory_space<vmem>>, vector<1x128x64xf32>
    %get3A_137 = vector.shape_cast %get3A_136 : vector<1x128x64xf32> to vector<128x64xf32>
    %dot_general3A_138 = arith.constant dense<0.000000e+00> : vector<512x64xf32>
    %dot_general3A_139 = tpu.matmul %get3A_132, %get3A_137, %dot_general3A_138 {dimension_numbers = #tpu.dot_dimension_numbers<[1], [0], [0], [1], [0, 0, 1, 1], [], []>, transpose_lhs_hint = false} : vector<512x128xf32>, vector<128x64xf32>, vector<512x64xf32> -> vector<512x64xf32>
    %add3A_140 = arith.addf %add3A_129, %dot_general3A_139 : vector<512x64xf32>
    %get3A_141 = arith.constant 0 : index
    %get3A_142 = arith.constant 0 : index
    %get3A_143 = vector.load %arg3[%get3A_141, %get3A_142] : memref<1x64xf32, #tpu.memory_space<vmem>>, vector<1x64xf32>
    %add3A_144 = vector.broadcast %get3A_143 : vector<1x64xf32> to vector<512x64xf32>
    %add3A_145 = arith.addf %add3A_140, %add3A_144 : vector<512x64xf32>
    %slice3A = vector.extract_strided_slice %add3A_145 {offsets = [0, 0], sizes = [512, 16], strides = [1, 1]} : vector<512x64xf32> to vector<512x16xf32>
    %swap3A = arith.constant 0 : index
    %swap3A_146 = arith.constant 0 : index
    %swap3A_147 = tpu.strided_load %arg4[%swap3A, %swap3A_146] {strides = array<i32: 4, 1>} : memref<2048x16xf32, #tpu.memory_space<vmem>>, vector<512x16xf32>
    tpu.strided_store %arg4[%swap3A, %swap3A_146], %slice3A {strides = array<i32: 4, 1>} : memref<2048x16xf32, #tpu.memory_space<vmem>>, vector<512x16xf32>
    %slice3A_148 = vector.extract_strided_slice %add3A_145 {offsets = [0, 16], sizes = [512, 16], strides = [1, 1]} : vector<512x64xf32> to vector<512x16xf32>
    %swap3A_149 = arith.constant 1 : index
    %swap3A_150 = arith.constant 0 : index
    %swap3A_151 = tpu.strided_load %arg4[%swap3A_149, %swap3A_150] {strides = array<i32: 4, 1>} : memref<2048x16xf32, #tpu.memory_space<vmem>>, vector<512x16xf32>
    tpu.strided_store %arg4[%swap3A_149, %swap3A_150], %slice3A_148 {strides = array<i32: 4, 1>} : memref<2048x16xf32, #tpu.memory_space<vmem>>, vector<512x16xf32>
    %slice3A_152 = vector.extract_strided_slice %add3A_145 {offsets = [0, 32], sizes = [512, 16], strides = [1, 1]} : vector<512x64xf32> to vector<512x16xf32>
    %swap3A_153 = arith.constant 2 : index
    %swap3A_154 = arith.constant 0 : index
    %swap3A_155 = tpu.strided_load %arg4[%swap3A_153, %swap3A_154] {strides = array<i32: 4, 1>} : memref<2048x16xf32, #tpu.memory_space<vmem>>, vector<512x16xf32>
    tpu.strided_store %arg4[%swap3A_153, %swap3A_154], %slice3A_152 {strides = array<i32: 4, 1>} : memref<2048x16xf32, #tpu.memory_space<vmem>>, vector<512x16xf32>
    %slice3A_156 = vector.extract_strided_slice %add3A_145 {offsets = [0, 48], sizes = [512, 16], strides = [1, 1]} : vector<512x64xf32> to vector<512x16xf32>
    %swap3A_157 = arith.constant 3 : index
    %swap3A_158 = arith.constant 0 : index
    %swap3A_159 = tpu.strided_load %arg4[%swap3A_157, %swap3A_158] {strides = array<i32: 4, 1>} : memref<2048x16xf32, #tpu.memory_space<vmem>>, vector<512x16xf32>
    tpu.strided_store %arg4[%swap3A_157, %swap3A_158], %slice3A_156 {strides = array<i32: 4, 1>} : memref<2048x16xf32, #tpu.memory_space<vmem>>, vector<512x16xf32>
    return
  }
  func.func @transform_0(%arg0: i32) -> (i32, i32) {
    %c0_i32 = arith.constant 0 : i32
    %c0_i32_0 = arith.constant 0 : i32
    return %arg0, %c0_i32 : i32, i32
  }
  func.func @transform_1(%arg0: i32) -> (i32, i32, i32) {
    %c0_i32 = arith.constant 0 : i32
    %c0_i32_0 = arith.constant 0 : i32
    %c0_i32_1 = arith.constant 0 : i32
    %c0_i32_2 = arith.constant 0 : i32
    return %c0_i32, %c0_i32_0, %c0_i32_1 : i32, i32, i32
  }
  func.func @transform_2(%arg0: i32) -> (i32, i32) {
    %c0_i32 = arith.constant 0 : i32
    %c0_i32_0 = arith.constant 0 : i32
    %c0_i32_1 = arith.constant 0 : i32
    return %c0_i32, %c0_i32_0 : i32, i32
  }
  func.func @transform_3(%arg0: i32) -> (i32, i32) {
    %c0_i32 = arith.constant 0 : i32
    %c0_i32_0 = arith.constant 0 : i32
    return %arg0, %c0_i32 : i32, i32
  }
}

</mosaic_0001>

<sc_bundles>
// kernel: kernel.4.cloned.1.call-start
scs
__scs_entry_jumppad:
0x0: {  	(pc) =	sbr.rel $0x88, $3  }
0x1: {  	(tag) =	ssettag $0x0;
	lr =	simm.s32 $0x1  }
0x2: {  	[smem:$0x3F9D] =	sst lr;
	_ =	strace $0xD0000000  }
0x3: {  	_ = 	snop  }
0x4: {  	_ = 	snop  }
0x5: {  	_ = 	snop  }
0x6: {  	_ = 	snop  }
0x7: {  	_ = 	snop  }
__scs_overlays_trampoline_lowered:
0x8: {  	[smem:$0x3FAC] =	sst s0  }
0x9: {  	[smem:$0x3FAD] =	sst s1  }
0xa: {  	[smem:$0x3FAE] =	sst s2  }
0xb: {  	[smem:$0x3FAF] =	sst s3  }
0xc: {  	[smem:$0x3FB0] =	sst s4  }
0xd: {  	[smem:$0x3FB1] =	sst s5  }
0xe: {  	[smem:$0x3FB2] =	sst s6  }
0xf: {  	[smem:$0x3FB3] =	sst s7  }
0x10: {  	[smem:$0x3FB4] =	sst s8  }
0x11: {  	[smem:$0x3FB5] =	sst s9;
	s0 =	simm.s32 @!p0 $0x0  }
0x12: {  	s1 =	sld [smem:$0x3F9B];
	s0 =	simm.s32 @p0 $0x1  }
0x13: {  	[smem:$0x3FB6] =	sst s0;
	s0 =	simm.s32 @!p1 $0x0  }
0x14: {  	s2 =	sld [smem:$0x3F9A];
	s0 =	simm.s32 @p1 $0x1  }
0x15: {  	[smem:$0x3FB7] =	sst s0;
	s0 =	simm.s32 @!p2 $0x0  }
0x16: {  	s3 =	sld [smem:$0x3FDB];
	s0 =	simm.s32 @p2 $0x1  }
0x17: {  	s4 =	simm.s32 $0x1BF5;
	[smem:$0x3FB9] =	sst s0  }
0x18: {  	s0 =	sld [smem:$0x3F9C];
	_ =	swait.ge [sflag:s4], $0x0  }
0x19: {  	s7 =	sld [smem:$0x3F9D]  }
0x1a: {  	s8 =	sadd.s32 $0xFFFFE003, lr  }
0x1b: {  	s9 =	sadd.s32 $0xFFFFFEF7, lr;
	s5 =	simm.s32 $0xFFFFFFFF;
	p2 =	slt.u32 s8, $0xFFFFF086  }
0x1c: {  	p1 =	slt.u32 s9, $0xF7A;
	s5 =	simm.s32 @!p2 $0x0  }
0x1d: {  	s5 =	simm.s32 @p1 $0x1;
	p0 =	seq.s32 s7, s2  }
0x1e: {  	s7 =	smul.u32 @!p0 $0xF7A, s2;
	p2 =	seq.s32 @!p0 s5, $0x0  }
0x1f: {  	s9 =	smul.u32 $0xF7A, s1;
	s8 =	simm.s32 @!p0 $0x1BF5;
	p2 =	por !p2, p0  }
0x20: {  	[sflag:s8] =	ssyncset.s32 @!p0 $0xFFFFF086;
	s6 =	sadd.s32 @!p0 s3, s7;
	s7 =	simm.s32 @!p0 $0x108  }
0x21: {  	s3 =	sadd.s32 s3, s9;
	s6 =	sadd.s32 @!p0 $0x88, s6;
	s7 =	simm.s32 @p2 $0x1082  }
0x22: {  	[simem:s7], [sflag:s8] =	dma.local @!p0 [hbm:s6], $0xF7A  }
0x23: {  	s9 =	sor.u32 $0xD0000000, s2;
	s6 =	simm.s32 $0x108;
	_ =	swait.ge @!p0 [sflag:s8], $0x0  }
0x24: {  	s3 =	sadd.s32 $0x88, s3;
	s6 =	simm.s32 @!p1 $0x1082;
	[sflag:s4] =	ssyncset.s32 $0xFFFFF086  }
0x25: {  	[simem:s6], [sflag:s4] =	dma.local [hbm:s3], $0xF7A  }
0x26: {  	[smem:$0x3F9D] =	sst s1;
	(tag) =	ssettag s2;
	_ =	strace s9  }
0x27: {  	s1 =	sld [smem:$0x3FAD]  }
0x28: {  	s2 =	sld [smem:$0x3FAE]  }
0x29: {  	s4 =	sld [smem:$0x3FB0]  }
0x2a: {  	p0 =	seq.s32 s5, $0x0;
	s5 =	sld [smem:$0x3FB1]  }
0x2b: {  	s6 =	sld [smem:$0x3FB2]  }
0x2c: {  	s7 =	sld [smem:$0x3FB3]  }
0x2d: {  	s3 =	simm.s32 $0x108;
	s8 =	sld [smem:$0x3FB4]  }
0x2e: {  	s3 =	simm.s32 @!p0 $0x1082;
	s9 =	sld [smem:$0x3FB5]  }
0x2f: {  	lr =	sadd.s32 s0, s3;
	s0 =	sld [smem:$0x3FAC]  }
0x30: {  	s3 =	sld [smem:$0x3FAF]  }
0x31: {  	[smem:$0x3FB8] =	sst s10  }
0x32: {  	s10 =	sld [smem:$0x3FB6];
	_ =	sdelay $0x3  }
0x33: {  	p0 =	seq.s32 s10, $0x1;
	s10 =	sld [smem:$0x3FB8];
	_ =	sdelay $0x3  }
0x34: {  	[smem:$0x3FB8] =	sst s10  }
0x35: {  	s10 =	sld [smem:$0x3FB7];
	_ =	sdelay $0x3  }
0x36: {  	p1 =	seq.s32 s10, $0x1;
	s10 =	sld [smem:$0x3FB8];
	_ =	sdelay $0x3  }
0x37: {  	[smem:$0x3FB8] =	sst s10  }
0x38: {  	s10 =	sld [smem:$0x3FB9]  }
0x39: {  	_ = 	snop;
	(pc) =	sbr.ind lr, $3  }
0x3a: {  	_ = 	snop  }
0x3b: {  	_ = 	snop  }
0x3c: {  	p2 =	seq.s32 s10, $0x1;
	s10 =	sld [smem:$0x3FB8]  }
0x3d: {  	_ =	shalt  }
0x3e: {  	_ =	shalt  }
0x3f: {  	_ =	shalt  }
0x40: {  	_ =	shalt  }
0x41: {  	_ =	shalt  }
0x42: {  	_ =	shalt  }
0x43: {  	_ =	shalt  }
0x44: {  	_ =	shalt  }
0x45: {  	_ =	shalt  }
0x46: {  	_ =	shalt  }
0x47: {  	_ =	shalt  }
0x48: {  	_ =	shalt  }
0x49: {  	_ =	shalt  }
0x4a: {  	_ =	shalt  }
0x4b: {  	_ =	shalt  }
0x4c: {  	_ =	shalt  }
0x4d: {  	_ =	shalt  }
0x4e: {  	_ =	shalt  }
0x4f: {  	_ =	shalt  }
0x50: {  	_ =	shalt  }
0x51: {  	_ =	shalt  }
0x52: {  	_ =	shalt  }
0x53: {  	_ =	shalt  }
0x54: {  	_ =	shalt  }
0x55: {  	_ =	shalt  }
0x56: {  	_ =	shalt  }
0x57: {  	_ =	shalt  }
0x58: {  	_ =	shalt  }
0x59: {  	_ =	shalt  }
0x5a: {  	_ =	shalt  }
0x5b: {  	_ =	shalt  }
0x5c: {  	_ =	shalt  }
0x5d: {  	_ =	shalt  }
0x5e: {  	_ =	shalt  }
0x5f: {  	_ =	shalt  }
0x60: {  	_ =	shalt  }
0x61: {  	_ =	shalt  }
0x62: {  	_ =	shalt  }
0x63: {  	_ =	shalt  }
0x64: {  	_ =	shalt  }
0x65: {  	_ =	shalt  }
0x66: {  	_ =	shalt  }
0x67: {  	_ =	shalt  }
0x68: {  	_ =	shalt  }
0x69: {  	_ =	shalt  }
0x6a: {  	_ =	shalt  }
0x6b: {  	_ =	shalt  }
0x6c: {  	_ =	shalt  }
0x6d: {  	_ =	shalt  }
0x6e: {  	_ =	shalt  }
0x6f: {  	_ =	shalt  }
0x70: {  	_ =	shalt  }
0x71: {  	_ =	shalt  }
0x72: {  	_ =	shalt  }
0x73: {  	_ =	shalt  }
0x74: {  	_ =	shalt  }
0x75: {  	_ =	shalt  }
0x76: {  	_ =	shalt  }
0x77: {  	_ =	shalt  }
0x78: {  	_ =	shalt  }
0x79: {  	_ =	shalt  }
0x7a: {  	_ =	shalt  }
0x7b: {  	_ =	shalt  }
0x7c: {  	_ =	shalt  }
0x7d: {  	_ =	shalt  }
0x7e: {  	_ =	shalt  }
0x7f: {  	_ =	shalt  }
0x80: {  	_ =	shalt  }
0x81: {  	_ =	shalt  }
0x82: {  	_ =	shalt  }
0x83: {  	_ =	shalt  }
0x84: {  	_ =	shalt  }
0x85: {  	_ =	shalt  }
0x86: {  	_ =	shalt  }
0x87: {  	_ =	shalt  }
.Lfunc_end0:
.L_simem_size_0:
called_computation_lowered:
.L_overlay_start_0:
0x88: {  	s2 =	sld [smem:$0x3FD9]  }
0x89: {  	s3 =	sld [smem:$0x3FFE];
	_ =	sdelay $0x1  }
0x8a: {  	s1 =	srdreg.scid  }
0x8b: {  	s0 =	sand.u32 $0x1, s1  }
0x8c: {  	s16 =	sshll.u32 s0, $0xA;
	s2 =	sadd.s32 s3, s2  }
0x8d: {  	s2 =	sadd.s32 s2, s16  }
0x8e: {  	[smem:$0x3FC4] =	sst s2  }
0x8f: {  	_ = 	snop  }
0x90: {  	(tm) =	ssettm $0x1  }
0x91: {  	s17 =	sld [smem:$0x3FFB];
	_ =	sdelay $0x3  }
0x92: {  	_ =	strace s17  }
0x93: {  	s2 =	sld [smem:$0x3FFC];
	_ =	sdelay $0x3  }
0x94: {  	_ =	strace s2  }
0x95: {  	s2 =	sld [smem:$0x3FFD];
	_ =	sdelay $0x3  }
0x96: {  	_ =	strace s2  }
0x97: {  	_ =	strace $0x8FFFFFFF  }
0x98: {  	s18 =	sld [smem:$0x3FDB];
	_ =	sdelay $0x1  }
0x99: {  	s19 =	simm.s32 $_scs_section_size  }
0x9a: {  	s4 =	simm.s32 $_size__tile_overlayer_lowered;
	s5 =	simm.s32 $_tile_overlayer_lowered  }
0x9b: {  	s22 =	simm.s32 $0x1BFF;
	s21 =	sshll.u32 s5, $0x1;
	s2 =	sadd.s32 s19, s18  }
0x9c: {  	s6 =	simm.s32 $0x0;
	s20 =	sshll.u32 s4, $0x1;
	s4 =	sadd.s32 s21, s2  }
0x9d: {  	[timem:s6], [sflag:s22] =	dma.local [hbm:s4], s20  }
0x9e: {  	_ =	swait.ge [sflag:s22], s20  }
0x9f: {  	s3 =	ssub.s32 $0x0, s20;
	[sflag:s22] =	ssyncset.done $0x0  }
0xa0: {  	[sflag:s22] =	ssyncadd.s32 s3;
	_ =	sdelay $0x1  }
0xa1: {  	s23 =	simm.s32 $0x1B8B  }
0xa2: {  	_ =	swait.ge [sflag:s23], $0x1  }
0xa3: {  	[sflag:s23] =	ssyncset.done $0x0  }
0xa4: {  	s25 =	simm.s32 $0x1B8E;
	s24 =	sld [smem:$0x3FFE];
	[sflag:s23] =	ssyncadd.s32 $0xFFFFFFFF  }
0xa5: {  	s26 =	simm.s32 $execute0_lowered;
	[smem:$0x3FD2] =	sst s25  }
0xa6: {  	s4 =	sshll.u32 s26, $0x1;
	_ =	strace $0x80000046;
	[dreg:$0x1] =	wrdreg $0xFFFFFFFF  }
0xa7: {  	s28 =	simm.s32 $_size_execute0_lowered;
	s2 =	sadd.s32 s2, s4;
	[dreg:$0x0] =	wrdreg $0x0  }
0xa8: {  	s4 =	sshll.u32 s28, $0x1;
	[dreg:$0x2] =	wrdreg s2  }
0xa9: {  	[dreg:$0x3] =	wrdreg s4  }
0xaa: {  	[dreg:$0x4] =	wrdreg $0xC0  }
0xab: {  	_ =	task [dreg:s6], $0x5FFFF  }
0xac: {  	[dreg:$0x1] =	wrdreg $0xFFFFFFFF  }
0xad: {  	[dreg:$0x0] =	wrdreg $0x60  }
0xae: {  	[dreg:$0x2] =	wrdreg s24  }
0xaf: {  	[dreg:$0x3] =	wrdreg $0x9  }
0xb0: {  	_ =	task.clear_ibuf [dreg:s6], $0x4FFFF;
	_ =	strace $0x90000046  }
0xb1: {  	s29 =	simm.s32 $0x9;
	_ =	strace $0x80000048  }
0xb2: {  	_ =	swait.ge [sflag:s29], $0x1  }
0xb3: {  	[sflag:s29] =	ssyncadd.s32 $0xFFFFFFFF  }
0xb4: {  	_ =	strace $0x90000048  }
0xb5: {  	_ =	sfence  }
0xb6: {  	s30 =	sld [smem:$0x0];
	_ =	sdelay $0x2  }
0xb7: {  	s31 =	sshll.u32 s1, $0xD;
	s1 =	sshrl.u32 s1, $0x2  }
0xb8: {  	s3 =	sand.u32 $0x4000, s31;
	s1 =	sadd.s32 s1, s30  }
0xb9: {  	s0 =	sor.u32 s3, s0;
	s1 =	sshll.u32 s1, $0x11  }
0xba: {  	s0 =	sor.u32 s1, s0  }
0xbb: {  	s0 =	sadd.s32 $0x8F2B, s0  }
0xbc: {  	[sflag:s0] =	ssyncadd.remote.s32 $0x1  }
0xbd: {  	_ =	sfence.sel $0xFFFF  }
0xbe: {  	[dreg:$0x0] =	wrdreg $0xFFFFFFFF;
	(pc) =	sbr.abs _section_cstart, $3  }
0xbf: {  	[dreg:$0x1] =	wrdreg $0xFFFFFFFF  }
0xc0: {  	_ =	task.clear_ibuf [dreg:s6], $0x2FFFF;
	_ =	strace $0x9FFFFFFF  }
0xc1: {  	(tm) =	ssettm $0x7FFFFFFF  }
tec
execute0_lowered:
.L_overlay_start_1:
0x0: {  	(tag) =	ssettag $0x1  }
0x1: {  	s0 =	srdreg.scid  }
0x2: {  	s1 =	stileid.u32;
	s3 =	rddreg [dreg:$0x0];
	s2 =	simm.s32 $0x0  }
0x3: {  	s31 =	simm.s32 $0x800;
	s30 =	simm.s32 $0xC00;
	s29 =	simm.s32 $0x1000  }
0x4: {  	s28 =	simm.s32 $0x1400;
	s0 =	sand.u32 $0x1, s0;
	s1 =	sshll.u32 s1, $0x1  }
0x5: {  	p0 =	por $0x0, $0x0;
	[smem:$0x7FF] =	sst s2;
	s6 =	sor.u32 s0, s1  }
0x6: {  	s4 =	sadd.s32 $0xE00, s3;
	_ =	strace $0x80000047;
	s5 =	smul.u32 $0x3400, s6  }
0x7: {  	s1 =	sadd.s32 $0xDE00, s3;
	s3 =	sadd.s32 $0xF43400, s3;
	s0 =	ssub.s32 $0x2, s0  }
0x8: {  	s6 =	smul.u32 $0x6800, s6;
	s7 =	sshrl.u32 s5, $0x3;
	s8 =	sadd.s32 $0x400, s5  }
0x9: {  	s9 =	sadd.s32 $0x800, s5;
	s11 =	sadd.s32 $0xC00, s5;
	s12 =	sadd.s32 $0x1400, s5  }
0xa: {  	s6 =	sadd.s32 s1, s6;
	s7 =	sadd.s32 s4, s7;
	s17 =	sshrl.u32 s8, $0x3  }
0xb: {  	s10 =	sshrl.u32 s9, $0x3;
	s19 =	sshrl.u32 s11, $0x3;
	s13 =	sshrl.u32 s12, $0x3  }
0xc: {  	[dreg:$0x8] =	wrdreg s6;
	s25 =	sshll.u32 s8, $0x1;
	s14 =	sshll.u32 s9, $0x1  }
0xd: {  	s9 =	sadd.s32 $0x2000, s5;
	[dreg:$0x2] =	wrdreg s7;
	s7 =	sadd.s32 s4, s17  }
0xe: {  	s18 =	sadd.s32 s4, s10;
	s20 =	sadd.s32 s4, s19;
	[dreg:$0x3] =	wrdreg s7  }
0xf: {  	s10 =	sadd.s32 $0x1000, s5;
	s22 =	sadd.s32 s4, s13;
	[dreg:$0x4] =	wrdreg s18  }
0x10: {  	s13 =	sadd.s32 $0x1800, s5;
	s26 =	sadd.s32 s1, s25;
	[dreg:$0x5] =	wrdreg s20  }
0x11: {  	s15 =	sadd.s32 s1, s14;
	s16 =	sshrl.u32 s9, $0x3;
	[dreg:$0x7] =	wrdreg s22  }
0x12: {  	s14 =	sshrl.u32 s0, $0x1;
	s21 =	sshrl.u32 s10, $0x3;
	[dreg:$0xa] =	wrdreg s26  }
0x13: {  	s23 =	sshrl.u32 s13, $0x3;
	[dreg:$0xc] =	wrdreg s15;
	s17 =	sadd.s32 s4, s16  }
0x14: {  	s18 =	sshll.u32 s11, $0x1;
	s10 =	sshll.u32 s10, $0x1;
	s11 =	sadd.s32 $0x2800, s5  }
0x15: {  	s26 =	sadd.s32 $0x2C00, s5;
	s13 =	sshll.u32 s13, $0x1;
	s0 =	ssub.s32 s0, s14  }
0x16: {  	s14 =	simm.s32 $0xA;
	s7 =	sadd.s32 s4, s21;
	s24 =	sadd.s32 s4, s23  }
0x17: {  	[dreg:$0xd] =	wrdreg s17;
	s19 =	sadd.s32 s1, s18;
	s21 =	sadd.s32 s1, s10  }
0x18: {  	s22 =	sshrl.u32 s11, $0x3;
	s15 =	sshrl.u32 s26, $0x3;
	[dreg:$0x6] =	wrdreg s7  }
0x19: {  	s16 =	sadd.s32 s1, s13;
	s0 =	smax.u32 s0, $0x1;
	[dreg:$0x9] =	wrdreg s24  }
0x1a: {  	s13 =	simm.s32 $0x1;
	s10 =	simm.s32 $0xC;
	[dreg:$0xe] =	wrdreg s19  }
0x1b: {  	s7 =	sadd.s32 $0x1C00, s5;
	[dreg:$0x10] =	wrdreg s21;
	s23 =	sadd.s32 s4, s22  }
0x1c: {  	s24 =	sshll.u32 s12, $0x1;
	[dreg:$0x14] =	wrdreg s16;
	s16 =	simm.s32 $0x11800  }
0x1d: {  	p1 =	sne.s32 s0, $0x1;
	s12 =	simm.s32 $0xB;
	s8 =	sshrl.u32 s7, $0x3  }
0x1e: {  	[dreg:$0x11] =	wrdreg s23;
	s25 =	sadd.s32 s1, s24;
	s18 =	sshll.u32 s7, $0x1  }
0x1f: {  	s24 =	sshll.u32 s11, $0x1;
	s7 =	simm.s32 $0x1800;
	s11 =	simm.s32 $0x8  }
0x20: {  	s6 =	sadd.s32 s4, s8;
	s8 =	sadd.s32 $0x2400, s5;
	[dreg:$0x12] =	wrdreg s25  }
0x21: {  	s5 =	sadd.s32 $0x3000, s5;
	s19 =	sadd.s32 s1, s18;
	s25 =	sshll.u32 s26, $0x1  }
0x22: {  	s18 =	simm.s32 $0x9800;
	[dreg:$0xb] =	wrdreg s6;
	s20 =	sshrl.u32 s8, $0x3  }
0x23: {  	s17 =	sshrl.u32 s5, $0x3;
	[dreg:$0x16] =	wrdreg s19;
	s22 =	sshll.u32 s8, $0x1  }
0x24: {  	s8 =	sadd.s32 s1, s24;
	s26 =	sshll.u32 s5, $0x1;
	s19 =	simm.s32 $0x5800  }
0x25: {  	s24 =	simm.s32 $0x3;
	s6 =	sadd.s32 s4, s20;
	s20 =	sshll.u32 s9, $0x1  }
0x26: {  	s23 =	sadd.s32 s1, s22;
	s5 =	sadd.s32 s1, s26;
	s26 =	simm.s32 $0x2  }
0x27: {  	s9 =	simm.s32 $0x9;
	s22 =	simm.s32 $0x6;
	[dreg:$0xf] =	wrdreg s6  }
0x28: {  	s6 =	sadd.s32 s4, s15;
	s4 =	sadd.s32 s4, s17;
	[dreg:$0x18] =	wrdreg s23  }
.Ltmp0:
0x29: {  	s21 =	sadd.s32 s1, s20;
	[dreg:$0x13] =	wrdreg s6;
	(pc) =	sbr.rel @!p1 .LBB2_3-.Ltmp0, $4  }
0x2a: {  	s20 =	simm.s32 $0xD;
	s17 =	simm.s32 $0xD800;
	[dreg:$0x15] =	wrdreg s4  }
0x2b: {  	s15 =	simm.s32 $0x15800;
	s23 =	simm.s32 $0x5;
	[dreg:$0x17] =	wrdreg s21  }
0x2c: {  	s6 =	sadd.s32 s1, s25;
	s21 =	simm.s32 $0x400;
	s4 =	simm.s32 $0x7  }
0x2d: {  	s1 =	sadd.s32 $0xFFFFFFFF, s0;
	s25 =	simm.s32 $0x4;
	s0 =	rddreg [dreg:$0x2]  }
0x2e: {  	[tilespmem:s2], [sflag:$0xD] =	stream.linear.gather [hbm4b:s0+s2], $0x400, $0x38;
	[tilespmem:$0x19800] =	vst v63  }
0x2f: {  	_ =	swait.ge [sflag:s20], $0x400  }
0x30: {  	[sflag:s20] =	ssyncset.done $0x0  }
0x31: {  	[sflag:s20] =	ssyncadd.s32 $0xFFFFFC00  }
0x32: {  	[tilespmem:s7], [sflag:$0x1] =	stream.indirect.gather [hbm4b:s3+s21], $0x10, s2, s21, $0xb8;
	[tilespmem:$0x19800] =	vst v63  }
0x33: {  	s0 =	rddreg [dreg:$0x3]  }
0x34: {  	[tilespmem:s21], [sflag:$0xD] =	stream.linear.gather [hbm4b:s0+s2], $0x400, $0x38;
	[tilespmem:$0x19800] =	vst v63  }
0x35: {  	_ =	swait.ge [sflag:s20], $0x400  }
0x36: {  	[sflag:s20] =	ssyncset.done $0x0  }
0x37: {  	[sflag:s20] =	ssyncadd.s32 $0xFFFFFC00  }
0x38: {  	[tilespmem:s19], [sflag:$0x2] =	stream.indirect.gather [hbm4b:s3+s21], $0x10, s21, s21, $0xb8;
	[tilespmem:$0x19800] =	vst v63  }
0x39: {  	s0 =	rddreg [dreg:$0x4]  }
0x3a: {  	[tilespmem:s31], [sflag:$0xD] =	stream.linear.gather [hbm4b:s0+s2], $0x400, $0x38;
	[tilespmem:$0x19800] =	vst v63  }
0x3b: {  	_ =	swait.ge [sflag:s20], $0x400  }
0x3c: {  	[sflag:s20] =	ssyncset.done $0x0  }
0x3d: {  	[sflag:s20] =	ssyncadd.s32 $0xFFFFFC00  }
0x3e: {  	[tilespmem:s18], [sflag:$0x3] =	stream.indirect.gather [hbm4b:s3+s21], $0x10, s31, s21, $0xb8;
	[tilespmem:$0x19800] =	vst v63  }
0x3f: {  	s0 =	rddreg [dreg:$0x5]  }
0x40: {  	[tilespmem:s30], [sflag:$0xD] =	stream.linear.gather [hbm4b:s0+s2], $0x400, $0x38;
	[tilespmem:$0x19800] =	vst v63  }
0x41: {  	_ =	swait.ge [sflag:s20], $0x400  }
0x42: {  	[sflag:s20] =	ssyncset.done $0x0  }
0x43: {  	[sflag:s20] =	ssyncadd.s32 $0xFFFFFC00  }
0x44: {  	[tilespmem:s17], [sflag:$0x4] =	stream.indirect.gather [hbm4b:s3+s21], $0x10, s30, s21, $0xb8;
	[tilespmem:$0x19800] =	vst v63  }
0x45: {  	s0 =	rddreg [dreg:$0x6]  }
0x46: {  	[tilespmem:s29], [sflag:$0xD] =	stream.linear.gather [hbm4b:s0+s2], $0x400, $0x38;
	[tilespmem:$0x19800] =	vst v63  }
0x47: {  	_ =	swait.ge [sflag:s20], $0x400  }
0x48: {  	[sflag:s20] =	ssyncset.done $0x0  }
0x49: {  	[sflag:s20] =	ssyncadd.s32 $0xFFFFFC00  }
0x4a: {  	[tilespmem:s16], [sflag:$0x5] =	stream.indirect.gather [hbm4b:s3+s21], $0x10, s29, s21, $0xb8;
	[tilespmem:$0x19800] =	vst v63  }
0x4b: {  	s0 =	rddreg [dreg:$0x7]  }
0x4c: {  	[tilespmem:s28], [sflag:$0xD] =	stream.linear.gather [hbm4b:s0+s2], $0x400, $0x38;
	[tilespmem:$0x19800] =	vst v63  }
0x4d: {  	_ =	swait.ge [sflag:s20], $0x400  }
0x4e: {  	[sflag:s20] =	ssyncset.done $0x0  }
0x4f: {  	[sflag:s20] =	ssyncadd.s32 $0xFFFFFC00  }
0x50: {  	[tilespmem:s15], [sflag:$0x6] =	stream.indirect.gather [hbm4b:s3+s21], $0x10, s28, s21, $0xb8;
	[tilespmem:$0x19800] =	vst v63  }
0x51: {  	_ =	swait.ge [sflag:s13], $0x4000  }
0x52: {  	[sflag:s13] =	ssyncset.done $0x0  }
0x53: {  	s0 =	rddreg [dreg:$0x8];
	[sflag:s13] =	ssyncadd.s32 $0xFFFFC000  }
0x54: {  	[hbm4b:s0+s2] =	stream.linear.scatter [tilespmem:s7], [sflag:$0x7], $0x4000, $0x38;
	[tilespmem:$0x19800] =	vst v63  }
0x55: {  	_ =	swait.ge [sflag:s4], $0x4000  }
0x56: {  	[sflag:s4] =	ssyncset.done $0x0  }
0x57: {  	s0 =	rddreg [dreg:$0x9];
	[sflag:s4] =	ssyncadd.s32 $0xFFFFC000  }
0x58: {  	[tilespmem:s2], [sflag:$0xD] =	stream.linear.gather [hbm4b:s0+s2], $0x400, $0x38;
	[tilespmem:$0x19800] =	vst v63  }
0x59: {  	_ =	swait.ge [sflag:s20], $0x400  }
0x5a: {  	[sflag:s20] =	ssyncset.done $0x0  }
0x5b: {  	[sflag:s20] =	ssyncadd.s32 $0xFFFFFC00  }
0x5c: {  	[tilespmem:s7], [sflag:$0x1] =	stream.indirect.gather [hbm4b:s3+s21], $0x10, s2, s21, $0xb8;
	[tilespmem:$0x19800] =	vst v63  }
0x5d: {  	_ =	swait.ge [sflag:s26], $0x4000  }
0x5e: {  	[sflag:s26] =	ssyncset.done $0x0  }
0x5f: {  	s0 =	rddreg [dreg:$0xa];
	[sflag:s26] =	ssyncadd.s32 $0xFFFFC000  }
0x60: {  	[hbm4b:s0+s2] =	stream.linear.scatter [tilespmem:s19], [sflag:$0x8], $0x4000, $0x38;
	[tilespmem:$0x19800] =	vst v63  }
0x61: {  	_ =	swait.ge [sflag:s11], $0x4000  }
0x62: {  	[sflag:s11] =	ssyncset.done $0x0  }
0x63: {  	s0 =	rddreg [dreg:$0xb];
	[sflag:s11] =	ssyncadd.s32 $0xFFFFC000  }
0x64: {  	[tilespmem:s21], [sflag:$0xD] =	stream.linear.gather [hbm4b:s0+s2], $0x400, $0x38;
	[tilespmem:$0x19800] =	vst v63  }
0x65: {  	_ =	swait.ge [sflag:s20], $0x400  }
0x66: {  	[sflag:s20] =	ssyncset.done $0x0  }
0x67: {  	[sflag:s20] =	ssyncadd.s32 $0xFFFFFC00  }
0x68: {  	[tilespmem:s19], [sflag:$0x2] =	stream.indirect.gather [hbm4b:s3+s21], $0x10, s21, s21, $0xb8;
	[tilespmem:$0x19800] =	vst v63  }
0x69: {  	_ =	swait.ge [sflag:s24], $0x4000  }
0x6a: {  	[sflag:s24] =	ssyncset.done $0x0  }
0x6b: {  	s0 =	rddreg [dreg:$0xc];
	[sflag:s24] =	ssyncadd.s32 $0xFFFFC000  }
0x6c: {  	[hbm4b:s0+s2] =	stream.linear.scatter [tilespmem:s18], [sflag:$0x9], $0x4000, $0x38;
	[tilespmem:$0x19800] =	vst v63  }
0x6d: {  	_ =	swait.ge [sflag:s9], $0x4000  }
0x6e: {  	[sflag:s9] =	ssyncset.done $0x0  }
0x6f: {  	s0 =	rddreg [dreg:$0xd];
	[sflag:s9] =	ssyncadd.s32 $0xFFFFC000  }
0x70: {  	[tilespmem:s31], [sflag:$0xD] =	stream.linear.gather [hbm4b:s0+s2], $0x400, $0x38;
	[tilespmem:$0x19800] =	vst v63  }
0x71: {  	_ =	swait.ge [sflag:s20], $0x400  }
0x72: {  	[sflag:s20] =	ssyncset.done $0x0  }
0x73: {  	[sflag:s20] =	ssyncadd.s32 $0xFFFFFC00  }
0x74: {  	[tilespmem:s18], [sflag:$0x3] =	stream.indirect.gather [hbm4b:s3+s21], $0x10, s31, s21, $0xb8;
	[tilespmem:$0x19800] =	vst v63  }
0x75: {  	_ =	swait.ge [sflag:s25], $0x4000  }
0x76: {  	[sflag:s25] =	ssyncset.done $0x0  }
0x77: {  	s0 =	rddreg [dreg:$0xe];
	[sflag:s25] =	ssyncadd.s32 $0xFFFFC000  }
0x78: {  	[hbm4b:s0+s2] =	stream.linear.scatter [tilespmem:s17], [sflag:$0xA], $0x4000, $0x38;
	[tilespmem:$0x19800] =	vst v63  }
0x79: {  	_ =	swait.ge [sflag:s14], $0x4000  }
0x7a: {  	[sflag:s14] =	ssyncset.done $0x0  }
0x7b: {  	s0 =	rddreg [dreg:$0xf];
	[sflag:s14] =	ssyncadd.s32 $0xFFFFC000  }
0x7c: {  	[tilespmem:s30], [sflag:$0xD] =	stream.linear.gather [hbm4b:s0+s2], $0x400, $0x38;
	[tilespmem:$0x19800] =	vst v63  }
0x7d: {  	_ =	swait.ge [sflag:s20], $0x400  }
0x7e: {  	[sflag:s20] =	ssyncset.done $0x0  }
0x7f: {  	[sflag:s20] =	ssyncadd.s32 $0xFFFFFC00  }
0x80: {  	[tilespmem:s17], [sflag:$0x4] =	stream.indirect.gather [hbm4b:s3+s21], $0x10, s30, s21, $0xb8;
	[tilespmem:$0x19800] =	vst v63  }
0x81: {  	_ =	swait.ge [sflag:s23], $0x4000  }
0x82: {  	[sflag:s23] =	ssyncset.done $0x0  }
0x83: {  	s0 =	rddreg [dreg:$0x10];
	[sflag:s23] =	ssyncadd.s32 $0xFFFFC000  }
0x84: {  	[hbm4b:s0+s2] =	stream.linear.scatter [tilespmem:s16], [sflag:$0xB], $0x4000, $0x38;
	[tilespmem:$0x19800] =	vst v63  }
0x85: {  	_ =	swait.ge [sflag:s12], $0x4000  }
0x86: {  	[sflag:s12] =	ssyncset.done $0x0  }
0x87: {  	s0 =	rddreg [dreg:$0x11];
	[sflag:s12] =	ssyncadd.s32 $0xFFFFC000  }
0x88: {  	[tilespmem:s29], [sflag:$0xD] =	stream.linear.gather [hbm4b:s0+s2], $0x400, $0x38;
	[tilespmem:$0x19800] =	vst v63  }
0x89: {  	_ =	swait.ge [sflag:s20], $0x400  }
0x8a: {  	[sflag:s20] =	ssyncset.done $0x0  }
0x8b: {  	[sflag:s20] =	ssyncadd.s32 $0xFFFFFC00  }
0x8c: {  	[tilespmem:s16], [sflag:$0x5] =	stream.indirect.gather [hbm4b:s3+s21], $0x10, s29, s21, $0xb8;
	[tilespmem:$0x19800] =	vst v63  }
0x8d: {  	_ =	swait.ge [sflag:s22], $0x4000  }
0x8e: {  	[sflag:s22] =	ssyncset.done $0x0  }
0x8f: {  	s0 =	rddreg [dreg:$0x12];
	[sflag:s22] =	ssyncadd.s32 $0xFFFFC000  }
0x90: {  	[hbm4b:s0+s2] =	stream.linear.scatter [tilespmem:s15], [sflag:$0xC], $0x4000, $0x38;
	[tilespmem:$0x19800] =	vst v63  }
0x91: {  	_ =	swait.ge [sflag:s10], $0x4000  }
0x92: {  	[sflag:s10] =	ssyncset.done $0x0  }
0x93: {  	s0 =	rddreg [dreg:$0x13];
	[sflag:s10] =	ssyncadd.s32 $0xFFFFC000  }
0x94: {  	[tilespmem:s28], [sflag:$0xD] =	stream.linear.gather [hbm4b:s0+s2], $0x400, $0x38;
	[tilespmem:$0x19800] =	vst v63  }
0x95: {  	_ =	swait.ge [sflag:s20], $0x400  }
0x96: {  	[sflag:s20] =	ssyncset.done $0x0  }
0x97: {  	[sflag:s20] =	ssyncadd.s32 $0xFFFFFC00  }
0x98: {  	[tilespmem:s15], [sflag:$0x6] =	stream.indirect.gather [hbm4b:s3+s21], $0x10, s28, s21, $0xb8;
	[tilespmem:$0x19800] =	vst v63  }
0x99: {  	_ =	swait.ge [sflag:s13], $0x4000  }
0x9a: {  	[sflag:s13] =	ssyncset.done $0x0  }
0x9b: {  	s0 =	rddreg [dreg:$0x14];
	[sflag:s13] =	ssyncadd.s32 $0xFFFFC000  }
0x9c: {  	[hbm4b:s0+s2] =	stream.linear.scatter [tilespmem:s7], [sflag:$0x7], $0x4000, $0x38;
	[tilespmem:$0x19800] =	vst v63  }
0x9d: {  	_ =	swait.ge [sflag:s4], $0x4000  }
0x9e: {  	[sflag:s4] =	ssyncset.done $0x0  }
0x9f: {  	s0 =	rddreg [dreg:$0x15];
	[sflag:s4] =	ssyncadd.s32 $0xFFFFC000  }
0xa0: {  	[tilespmem:s2], [sflag:$0xD] =	stream.linear.gather [hbm4b:s0+s2], $0x400, $0x38;
	[tilespmem:$0x19800] =	vst v63  }
0xa1: {  	_ =	swait.ge [sflag:s20], $0x400  }
0xa2: {  	[sflag:s20] =	ssyncset.done $0x0  }
0xa3: {  	[sflag:s20] =	ssyncadd.s32 $0xFFFFFC00  }
0xa4: {  	[tilespmem:s7], [sflag:$0x1] =	stream.indirect.gather [hbm4b:s3+s21], $0x10, s2, s21, $0xb8;
	[tilespmem:$0x19800] =	vst v63  }
0xa5: {  	_ =	swait.ge [sflag:s26], $0x4000  }
0xa6: {  	[sflag:s26] =	ssyncset.done $0x0  }
0xa7: {  	s0 =	rddreg [dreg:$0x16];
	[sflag:s26] =	ssyncadd.s32 $0xFFFFC000  }
0xa8: {  	[hbm4b:s0+s2] =	stream.linear.scatter [tilespmem:s19], [sflag:$0x8], $0x4000, $0x38;
	[tilespmem:$0x19800] =	vst v63  }
0xa9: {  	_ =	swait.ge [sflag:s24], $0x4000  }
0xaa: {  	[sflag:s24] =	ssyncset.done $0x0  }
0xab: {  	s0 =	rddreg [dreg:$0x17];
	[sflag:s24] =	ssyncadd.s32 $0xFFFFC000  }
0xac: {  	[hbm4b:s0+s2] =	stream.linear.scatter [tilespmem:s18], [sflag:$0x9], $0x4000, $0x38;
	[tilespmem:$0x19800] =	vst v63  }
0xad: {  	_ =	swait.ge [sflag:s25], $0x4000  }
0xae: {  	[sflag:s25] =	ssyncset.done $0x0  }
0xaf: {  	s0 =	rddreg [dreg:$0x18];
	[sflag:s25] =	ssyncadd.s32 $0xFFFFC000  }
0xb0: {  	[hbm4b:s0+s2] =	stream.linear.scatter [tilespmem:s17], [sflag:$0xA], $0x4000, $0x38;
	[tilespmem:$0x19800] =	vst v63  }
0xb1: {  	_ =	swait.ge [sflag:s23], $0x4000  }
0xb2: {  	[sflag:s23] =	ssyncset.done $0x0  }
0xb3: {  	[sflag:s23] =	ssyncadd.s32 $0xFFFFC000  }
0xb4: {  	[hbm4b:s8+s2] =	stream.linear.scatter [tilespmem:s16], [sflag:$0xB], $0x4000, $0x38;
	[tilespmem:$0x19800] =	vst v63  }
0xb5: {  	_ =	swait.ge [sflag:s22], $0x4000  }
0xb6: {  	[sflag:s22] =	ssyncset.done $0x0  }
0xb7: {  	[sflag:s22] =	ssyncadd.s32 $0xFFFFC000  }
0xb8: {  	[hbm4b:s6+s2] =	stream.linear.scatter [tilespmem:s15], [sflag:$0xC], $0x4000, $0x38;
	[tilespmem:$0x19800] =	vst v63  }
0xb9: {  	_ =	swait.ge [sflag:s13], $0x4000  }
0xba: {  	[sflag:s13] =	ssyncset.done $0x0  }
0xbb: {  	[sflag:s13] =	ssyncadd.s32 $0xFFFFC000  }
0xbc: {  	[hbm4b:s5+s2] =	stream.linear.scatter [tilespmem:s7], [sflag:$0x7], $0x4000, $0x38;
	[tilespmem:$0x19800] =	vst v63  }
0xbd: {  	_ =	swait.ge [sflag:s11], $0x4000  }
0xbe: {  	[sflag:s11] =	ssyncset.done $0x0  }
0xbf: {  	[sflag:s11] =	ssyncadd.s32 $0xFFFFC000  }
0xc0: {  	_ =	swait.ge [sflag:s9], $0x4000  }
0xc1: {  	[sflag:s9] =	ssyncset.done $0x0  }
0xc2: {  	[sflag:s9] =	ssyncadd.s32 $0xFFFFC000  }
0xc3: {  	_ =	swait.ge [sflag:s14], $0x4000  }
0xc4: {  	[sflag:s14] =	ssyncset.done $0x0  }
0xc5: {  	[sflag:s14] =	ssyncadd.s32 $0xFFFFC000  }
0xc6: {  	_ =	swait.ge [sflag:s12], $0x4000  }
0xc7: {  	[sflag:s12] =	ssyncset.done $0x0  }
0xc8: {  	p1 =	sne.s32 s1, $0x1;
	[sflag:s12] =	ssyncadd.s32 $0xFFFFC000  }
.Ltmp1:
0xc9: {  	_ =	swait.ge [sflag:s10], $0x4000;
	(pc) =	sbr.rel @!p1 .LBB2_3-.Ltmp1, $4  }
0xca: {  	[sflag:s10] =	ssyncset.done $0x0  }
0xcb: {  	[sflag:s10] =	ssyncadd.s32 $0xFFFFC000  }
0xcc: {  	s1 =	sadd.s32 $0xFFFFFFFF, s1;
	_ =	swait.ge [sflag:s4], $0x4000  }
0xcd: {  	p0 =	por $0x1, $0x1;
	s0 =	rddreg [dreg:$0x2];
	[sflag:s4] =	ssyncset.done $0x0  }
.LBB2_2:
0xce: {  	[sflag:s4] =	ssyncadd.s32 $0xFFFFC000  }
0xcf: {  	[tilespmem:s2], [sflag:$0xD] =	stream.linear.gather [hbm4b:s0+s2], $0x400, $0x38;
	[tilespmem:$0x19800] =	vst v63  }
0xd0: {  	_ =	swait.ge [sflag:s20], $0x400  }
0xd1: {  	[sflag:s20] =	ssyncset.done $0x0  }
0xd2: {  	[sflag:s20] =	ssyncadd.s32 $0xFFFFFC00  }
0xd3: {  	[tilespmem:s7], [sflag:$0x1] =	stream.indirect.gather [hbm4b:s3+s21], $0x10, s2, s21, $0xb8;
	[tilespmem:$0x19800] =	vst v63  }
0xd4: {  	s0 =	rddreg [dreg:$0x3]  }
0xd5: {  	[tilespmem:s21], [sflag:$0xD] =	stream.linear.gather [hbm4b:s0+s2], $0x400, $0x38;
	[tilespmem:$0x19800] =	vst v63  }
0xd6: {  	_ =	swait.ge [sflag:s20], $0x400  }
0xd7: {  	[sflag:s20] =	ssyncset.done $0x0  }
0xd8: {  	[sflag:s20] =	ssyncadd.s32 $0xFFFFFC00  }
0xd9: {  	[tilespmem:s19], [sflag:$0x2] =	stream.indirect.gather [hbm4b:s3+s21], $0x10, s21, s21, $0xb8;
	[tilespmem:$0x19800] =	vst v63  }
0xda: {  	s0 =	rddreg [dreg:$0x4]  }
0xdb: {  	[tilespmem:s31], [sflag:$0xD] =	stream.linear.gather [hbm4b:s0+s2], $0x400, $0x38;
	[tilespmem:$0x19800] =	vst v63  }
0xdc: {  	_ =	swait.ge [sflag:s20], $0x400  }
0xdd: {  	[sflag:s20] =	ssyncset.done $0x0  }
0xde: {  	[sflag:s20] =	ssyncadd.s32 $0xFFFFFC00  }
0xdf: {  	[tilespmem:s18], [sflag:$0x3] =	stream.indirect.gather [hbm4b:s3+s21], $0x10, s31, s21, $0xb8;
	[tilespmem:$0x19800] =	vst v63  }
0xe0: {  	s0 =	rddreg [dreg:$0x5]  }
0xe1: {  	[tilespmem:s30], [sflag:$0xD] =	stream.linear.gather [hbm4b:s0+s2], $0x400, $0x38;
	[tilespmem:$0x19800] =	vst v63  }
0xe2: {  	_ =	swait.ge [sflag:s20], $0x400  }
0xe3: {  	[sflag:s20] =	ssyncset.done $0x0  }
0xe4: {  	[sflag:s20] =	ssyncadd.s32 $0xFFFFFC00  }
0xe5: {  	[tilespmem:s17], [sflag:$0x4] =	stream.indirect.gather [hbm4b:s3+s21], $0x10, s30, s21, $0xb8;
	[tilespmem:$0x19800] =	vst v63  }
0xe6: {  	s0 =	rddreg [dreg:$0x6]  }
0xe7: {  	[tilespmem:s29], [sflag:$0xD] =	stream.linear.gather [hbm4b:s0+s2], $0x400, $0x38;
	[tilespmem:$0x19800] =	vst v63  }
0xe8: {  	_ =	swait.ge [sflag:s20], $0x400  }
0xe9: {  	[sflag:s20] =	ssyncset.done $0x0  }
0xea: {  	[sflag:s20] =	ssyncadd.s32 $0xFFFFFC00  }
0xeb: {  	[tilespmem:s16], [sflag:$0x5] =	stream.indirect.gather [hbm4b:s3+s21], $0x10, s29, s21, $0xb8;
	[tilespmem:$0x19800] =	vst v63  }
0xec: {  	s0 =	rddreg [dreg:$0x7]  }
0xed: {  	[tilespmem:s28], [sflag:$0xD] =	stream.linear.gather [hbm4b:s0+s2], $0x400, $0x38;
	[tilespmem:$0x19800] =	vst v63  }
0xee: {  	_ =	swait.ge [sflag:s20], $0x400  }
0xef: {  	[sflag:s20] =	ssyncset.done $0x0  }
0xf0: {  	[sflag:s20] =	ssyncadd.s32 $0xFFFFFC00  }
0xf1: {  	[tilespmem:s15], [sflag:$0x6] =	stream.indirect.gather [hbm4b:s3+s21], $0x10, s28, s21, $0xb8;
	[tilespmem:$0x19800] =	vst v63  }
0xf2: {  	_ =	swait.ge [sflag:s13], $0x4000  }
0xf3: {  	[sflag:s13] =	ssyncset.done $0x0  }
0xf4: {  	s0 =	rddreg [dreg:$0x8];
	[sflag:s13] =	ssyncadd.s32 $0xFFFFC000  }
0xf5: {  	[hbm4b:s0+s2] =	stream.linear.scatter [tilespmem:s7], [sflag:$0x7], $0x4000, $0x38;
	[tilespmem:$0x19800] =	vst v63  }
0xf6: {  	_ =	swait.ge [sflag:s4], $0x4000  }
0xf7: {  	[sflag:s4] =	ssyncset.done $0x0  }
0xf8: {  	s0 =	rddreg [dreg:$0x9];
	[sflag:s4] =	ssyncadd.s32 $0xFFFFC000  }
0xf9: {  	[tilespmem:s2], [sflag:$0xD] =	stream.linear.gather [hbm4b:s0+s2], $0x400, $0x38;
	[tilespmem:$0x19800] =	vst v63  }
0xfa: {  	_ =	swait.ge [sflag:s20], $0x400  }
0xfb: {  	[sflag:s20] =	ssyncset.done $0x0  }
0xfc: {  	[sflag:s20] =	ssyncadd.s32 $0xFFFFFC00  }
0xfd: {  	[tilespmem:s7], [sflag:$0x1] =	stream.indirect.gather [hbm4b:s3+s21], $0x10, s2, s21, $0xb8;
	[tilespmem:$0x19800] =	vst v63  }
0xfe: {  	_ =	swait.ge [sflag:s26], $0x4000  }
0xff: {  	[sflag:s26] =	ssyncset.done $0x0  }
0x100: {  	s0 =	rddreg [dreg:$0xa];
	[sflag:s26] =	ssyncadd.s32 $0xFFFFC000  }
0x101: {  	[hbm4b:s0+s2] =	stream.linear.scatter [tilespmem:s19], [sflag:$0x8], $0x4000, $0x38;
	[tilespmem:$0x19800] =	vst v63  }
0x102: {  	_ =	swait.ge [sflag:s11], $0x4000  }
0x103: {  	[sflag:s11] =	ssyncset.done $0x0  }
0x104: {  	s0 =	rddreg [dreg:$0xb];
	[sflag:s11] =	ssyncadd.s32 $0xFFFFC000  }
0x105: {  	[tilespmem:s21], [sflag:$0xD] =	stream.linear.gather [hbm4b:s0+s2], $0x400, $0x38;
	[tilespmem:$0x19800] =	vst v63  }
0x106: {  	_ =	swait.ge [sflag:s20], $0x400  }
0x107: {  	[sflag:s20] =	ssyncset.done $0x0  }
0x108: {  	[sflag:s20] =	ssyncadd.s32 $0xFFFFFC00  }
0x109: {  	[tilespmem:s19], [sflag:$0x2] =	stream.indirect.gather [hbm4b:s3+s21], $0x10, s21, s21, $0xb8;
	[tilespmem:$0x19800] =	vst v63  }
0x10a: {  	_ =	swait.ge [sflag:s24], $0x4000  }
0x10b: {  	[sflag:s24] =	ssyncset.done $0x0  }
0x10c: {  	s0 =	rddreg [dreg:$0xc];
	[sflag:s24] =	ssyncadd.s32 $0xFFFFC000  }
0x10d: {  	[hbm4b:s0+s2] =	stream.linear.scatter [tilespmem:s18], [sflag:$0x9], $0x4000, $0x38;
	[tilespmem:$0x19800] =	vst v63  }
0x10e: {  	_ =	swait.ge [sflag:s9], $0x4000  }
0x10f: {  	[sflag:s9] =	ssyncset.done $0x0  }
0x110: {  	s0 =	rddreg [dreg:$0xd];
	[sflag:s9] =	ssyncadd.s32 $0xFFFFC000  }
0x111: {  	[tilespmem:s31], [sflag:$0xD] =	stream.linear.gather [hbm4b:s0+s2], $0x400, $0x38;
	[tilespmem:$0x19800] =	vst v63  }
0x112: {  	_ =	swait.ge [sflag:s20], $0x400  }
0x113: {  	[sflag:s20] =	ssyncset.done $0x0  }
0x114: {  	[sflag:s20] =	ssyncadd.s32 $0xFFFFFC00  }
0x115: {  	[tilespmem:s18], [sflag:$0x3] =	stream.indirect.gather [hbm4b:s3+s21], $0x10, s31, s21, $0xb8;
	[tilespmem:$0x19800] =	vst v63  }
0x116: {  	_ =	swait.ge [sflag:s25], $0x4000  }
0x117: {  	[sflag:s25] =	ssyncset.done $0x0  }
0x118: {  	s0 =	rddreg [dreg:$0xe];
	[sflag:s25] =	ssyncadd.s32 $0xFFFFC000  }
0x119: {  	[hbm4b:s0+s2] =	stream.linear.scatter [tilespmem:s17], [sflag:$0xA], $0x4000, $0x38;
	[tilespmem:$0x19800] =	vst v63  }
0x11a: {  	_ =	swait.ge [sflag:s14], $0x4000  }
0x11b: {  	[sflag:s14] =	ssyncset.done $0x0  }
0x11c: {  	s0 =	rddreg [dreg:$0xf];
	[sflag:s14] =	ssyncadd.s32 $0xFFFFC000  }
0x11d: {  	[tilespmem:s30], [sflag:$0xD] =	stream.linear.gather [hbm4b:s0+s2], $0x400, $0x38;
	[tilespmem:$0x19800] =	vst v63  }
0x11e: {  	_ =	swait.ge [sflag:s20], $0x400  }
0x11f: {  	[sflag:s20] =	ssyncset.done $0x0  }
0x120: {  	[sflag:s20] =	ssyncadd.s32 $0xFFFFFC00  }
0x121: {  	[tilespmem:s17], [sflag:$0x4] =	stream.indirect.gather [hbm4b:s3+s21], $0x10, s30, s21, $0xb8;
	[tilespmem:$0x19800] =	vst v63  }
0x122: {  	_ =	swait.ge [sflag:s23], $0x4000  }
0x123: {  	[sflag:s23] =	ssyncset.done $0x0  }
0x124: {  	s0 =	rddreg [dreg:$0x10];
	[sflag:s23] =	ssyncadd.s32 $0xFFFFC000  }
0x125: {  	[hbm4b:s0+s2] =	stream.linear.scatter [tilespmem:s16], [sflag:$0xB], $0x4000, $0x38;
	[tilespmem:$0x19800] =	vst v63  }
0x126: {  	_ =	swait.ge [sflag:s12], $0x4000  }
0x127: {  	[sflag:s12] =	ssyncset.done $0x0  }
0x128: {  	s0 =	rddreg [dreg:$0x11];
	[sflag:s12] =	ssyncadd.s32 $0xFFFFC000  }
0x129: {  	[tilespmem:s29], [sflag:$0xD] =	stream.linear.gather [hbm4b:s0+s2], $0x400, $0x38;
	[tilespmem:$0x19800] =	vst v63  }
0x12a: {  	_ =	swait.ge [sflag:s20], $0x400  }
0x12b: {  	[sflag:s20] =	ssyncset.done $0x0  }
0x12c: {  	[sflag:s20] =	ssyncadd.s32 $0xFFFFFC00  }
0x12d: {  	[tilespmem:s16], [sflag:$0x5] =	stream.indirect.gather [hbm4b:s3+s21], $0x10, s29, s21, $0xb8;
	[tilespmem:$0x19800] =	vst v63  }
0x12e: {  	_ =	swait.ge [sflag:s22], $0x4000  }
0x12f: {  	[sflag:s22] =	ssyncset.done $0x0  }
0x130: {  	s0 =	rddreg [dreg:$0x12];
	[sflag:s22] =	ssyncadd.s32 $0xFFFFC000  }
0x131: {  	[hbm4b:s0+s2] =	stream.linear.scatter [tilespmem:s15], [sflag:$0xC], $0x4000, $0x38;
	[tilespmem:$0x19800] =	vst v63  }
0x132: {  	_ =	swait.ge [sflag:s10], $0x4000  }
0x133: {  	[sflag:s10] =	ssyncset.done $0x0  }
0x134: {  	s0 =	rddreg [dreg:$0x13];
	[sflag:s10] =	ssyncadd.s32 $0xFFFFC000  }
0x135: {  	[tilespmem:s28], [sflag:$0xD] =	stream.linear.gather [hbm4b:s0+s2], $0x400, $0x38;
	[tilespmem:$0x19800] =	vst v63  }
0x136: {  	_ =	swait.ge [sflag:s20], $0x400  }
0x137: {  	[sflag:s20] =	ssyncset.done $0x0  }
0x138: {  	[sflag:s20] =	ssyncadd.s32 $0xFFFFFC00  }
0x139: {  	[tilespmem:s15], [sflag:$0x6] =	stream.indirect.gather [hbm4b:s3+s21], $0x10, s28, s21, $0xb8;
	[tilespmem:$0x19800] =	vst v63  }
0x13a: {  	_ =	swait.ge [sflag:s13], $0x4000  }
0x13b: {  	[sflag:s13] =	ssyncset.done $0x0  }
0x13c: {  	s0 =	rddreg [dreg:$0x14];
	[sflag:s13] =	ssyncadd.s32 $0xFFFFC000  }
0x13d: {  	[hbm4b:s0+s2] =	stream.linear.scatter [tilespmem:s7], [sflag:$0x7], $0x4000, $0x38;
	[tilespmem:$0x19800] =	vst v63  }
0x13e: {  	_ =	swait.ge [sflag:s4], $0x4000  }
0x13f: {  	[sflag:s4] =	ssyncset.done $0x0  }
0x140: {  	s0 =	rddreg [dreg:$0x15];
	[sflag:s4] =	ssyncadd.s32 $0xFFFFC000  }
0x141: {  	[tilespmem:s2], [sflag:$0xD] =	stream.linear.gather [hbm4b:s0+s2], $0x400, $0x38;
	[tilespmem:$0x19800] =	vst v63  }
0x142: {  	_ =	swait.ge [sflag:s20], $0x400  }
0x143: {  	[sflag:s20] =	ssyncset.done $0x0  }
0x144: {  	[sflag:s20] =	ssyncadd.s32 $0xFFFFFC00  }
0x145: {  	[tilespmem:s7], [sflag:$0x1] =	stream.indirect.gather [hbm4b:s3+s21], $0x10, s2, s21, $0xb8;
	[tilespmem:$0x19800] =	vst v63  }
0x146: {  	_ =	swait.ge [sflag:s26], $0x4000  }
0x147: {  	[sflag:s26] =	ssyncset.done $0x0  }
0x148: {  	s0 =	rddreg [dreg:$0x16];
	[sflag:s26] =	ssyncadd.s32 $0xFFFFC000  }
0x149: {  	[hbm4b:s0+s2] =	stream.linear.scatter [tilespmem:s19], [sflag:$0x8], $0x4000, $0x38;
	[tilespmem:$0x19800] =	vst v63  }
0x14a: {  	_ =	swait.ge [sflag:s24], $0x4000  }
0x14b: {  	[sflag:s24] =	ssyncset.done $0x0  }
0x14c: {  	s0 =	rddreg [dreg:$0x17];
	[sflag:s24] =	ssyncadd.s32 $0xFFFFC000  }
0x14d: {  	[hbm4b:s0+s2] =	stream.linear.scatter [tilespmem:s18], [sflag:$0x9], $0x4000, $0x38;
	[tilespmem:$0x19800] =	vst v63  }
0x14e: {  	_ =	swait.ge [sflag:s25], $0x4000  }
0x14f: {  	[sflag:s25] =	ssyncset.done $0x0  }
0x150: {  	s0 =	rddreg [dreg:$0x18];
	[sflag:s25] =	ssyncadd.s32 $0xFFFFC000  }
0x151: {  	[hbm4b:s0+s2] =	stream.linear.scatter [tilespmem:s17], [sflag:$0xA], $0x4000, $0x38;
	[tilespmem:$0x19800] =	vst v63  }
0x152: {  	_ =	swait.ge [sflag:s23], $0x4000  }
0x153: {  	[sflag:s23] =	ssyncset.done $0x0  }
0x154: {  	[sflag:s23] =	ssyncadd.s32 $0xFFFFC000  }
0x155: {  	[hbm4b:s8+s2] =	stream.linear.scatter [tilespmem:s16], [sflag:$0xB], $0x4000, $0x38;
	[tilespmem:$0x19800] =	vst v63  }
0x156: {  	_ =	swait.ge [sflag:s22], $0x4000  }
0x157: {  	[sflag:s22] =	ssyncset.done $0x0  }
0x158: {  	[sflag:s22] =	ssyncadd.s32 $0xFFFFC000  }
0x159: {  	[hbm4b:s6+s2] =	stream.linear.scatter [tilespmem:s15], [sflag:$0xC], $0x4000, $0x38;
	[tilespmem:$0x19800] =	vst v63  }
0x15a: {  	_ =	swait.ge [sflag:s13], $0x4000  }
0x15b: {  	[sflag:s13] =	ssyncset.done $0x0  }
0x15c: {  	[sflag:s13] =	ssyncadd.s32 $0xFFFFC000  }
0x15d: {  	[hbm4b:s5+s2] =	stream.linear.scatter [tilespmem:s7], [sflag:$0x7], $0x4000, $0x38;
	[tilespmem:$0x19800] =	vst v63  }
0x15e: {  	_ =	swait.ge [sflag:s11], $0x4000  }
0x15f: {  	[sflag:s11] =	ssyncset.done $0x0  }
0x160: {  	[sflag:s11] =	ssyncadd.s32 $0xFFFFC000  }
0x161: {  	_ =	swait.ge [sflag:s9], $0x4000  }
0x162: {  	[sflag:s9] =	ssyncset.done $0x0  }
0x163: {  	[sflag:s9] =	ssyncadd.s32 $0xFFFFC000  }
0x164: {  	_ =	swait.ge [sflag:s14], $0x4000  }
0x165: {  	[sflag:s14] =	ssyncset.done $0x0  }
0x166: {  	[sflag:s14] =	ssyncadd.s32 $0xFFFFC000  }
0x167: {  	_ =	swait.ge [sflag:s12], $0x4000  }
0x168: {  	[sflag:s12] =	ssyncset.done $0x0  }
0x169: {  	p1 =	sne.s32 s1, $0x1;
	[sflag:s12] =	ssyncadd.s32 $0xFFFFC000  }
.Ltmp2:
0x16a: {  	_ =	swait.ge [sflag:s10], $0x4000;
	(pc) =	sbr.rel @p1 .LBB2_2-.Ltmp2, $4  }
0x16b: {  	[sflag:s10] =	ssyncset.done $0x0  }
0x16c: {  	[sflag:s10] =	ssyncadd.s32 $0xFFFFC000  }
0x16d: {  	_ =	swait.ge [sflag:s4], $0x4000  }
0x16e: {  	s1 =	sadd.s32 $0xFFFFFFFF, s1;
	s0 =	rddreg [dreg:$0x2];
	[sflag:s4] =	ssyncset.done $0x0  }
.LBB2_3:
0x16f: {  	[sflag:s4] =	ssyncadd.s32 @p0 $0xFFFFC000  }
0x170: {  	[tilespmem:s2], [sflag:$0xD] =	stream.linear.gather [hbm4b:s0+s2], $0x400, $0x38;
	[tilespmem:$0x19800] =	vst v63  }
0x171: {  	_ =	swait.ge [sflag:s20], $0x400  }
0x172: {  	[sflag:s20] =	ssyncset.done $0x0  }
0x173: {  	[sflag:s20] =	ssyncadd.s32 $0xFFFFFC00  }
0x174: {  	[tilespmem:s7], [sflag:$0x1] =	stream.indirect.gather [hbm4b:s3+s21], $0x10, s2, s21, $0xb8;
	[tilespmem:$0x19800] =	vst v63  }
0x175: {  	s1 =	rddreg [dreg:$0x3]  }
0x176: {  	[tilespmem:s21], [sflag:$0xD] =	stream.linear.gather [hbm4b:s1+s2], $0x400, $0x38;
	[tilespmem:$0x19800] =	vst v63  }
0x177: {  	_ =	swait.ge [sflag:s20], $0x400  }
0x178: {  	[sflag:s20] =	ssyncset.done $0x0  }
0x179: {  	[sflag:s20] =	ssyncadd.s32 $0xFFFFFC00  }
0x17a: {  	[tilespmem:s19], [sflag:$0x2] =	stream.indirect.gather [hbm4b:s3+s21], $0x10, s21, s21, $0xb8;
	[tilespmem:$0x19800] =	vst v63  }
0x17b: {  	s1 =	rddreg [dreg:$0x4]  }
0x17c: {  	[tilespmem:s31], [sflag:$0xD] =	stream.linear.gather [hbm4b:s1+s2], $0x400, $0x38;
	[tilespmem:$0x19800] =	vst v63  }
0x17d: {  	_ =	swait.ge [sflag:s20], $0x400  }
0x17e: {  	[sflag:s20] =	ssyncset.done $0x0  }
0x17f: {  	[sflag:s20] =	ssyncadd.s32 $0xFFFFFC00  }
0x180: {  	[tilespmem:s18], [sflag:$0x3] =	stream.indirect.gather [hbm4b:s3+s21], $0x10, s31, s21, $0xb8;
	[tilespmem:$0x19800] =	vst v63  }
0x181: {  	s1 =	rddreg [dreg:$0x5]  }
0x182: {  	[tilespmem:s30], [sflag:$0xD] =	stream.linear.gather [hbm4b:s1+s2], $0x400, $0x38;
	[tilespmem:$0x19800] =	vst v63  }
0x183: {  	_ =	swait.ge [sflag:s20], $0x400  }
0x184: {  	[sflag:s20] =	ssyncset.done $0x0  }
0x185: {  	[sflag:s20] =	ssyncadd.s32 $0xFFFFFC00  }
0x186: {  	[tilespmem:s17], [sflag:$0x4] =	stream.indirect.gather [hbm4b:s3+s21], $0x10, s30, s21, $0xb8;
	[tilespmem:$0x19800] =	vst v63  }
0x187: {  	s1 =	rddreg [dreg:$0x6]  }
0x188: {  	[tilespmem:s29], [sflag:$0xD] =	stream.linear.gather [hbm4b:s1+s2], $0x400, $0x38;
	[tilespmem:$0x19800] =	vst v63  }
0x189: {  	_ =	swait.ge [sflag:s20], $0x400  }
0x18a: {  	[sflag:s20] =	ssyncset.done $0x0  }
0x18b: {  	[sflag:s20] =	ssyncadd.s32 $0xFFFFFC00  }
0x18c: {  	[tilespmem:s16], [sflag:$0x5] =	stream.indirect.gather [hbm4b:s3+s21], $0x10, s29, s21, $0xb8;
	[tilespmem:$0x19800] =	vst v63  }
0x18d: {  	s1 =	rddreg [dreg:$0x7]  }
0x18e: {  	[tilespmem:s28], [sflag:$0xD] =	stream.linear.gather [hbm4b:s1+s2], $0x400, $0x38;
	[tilespmem:$0x19800] =	vst v63  }
0x18f: {  	_ =	swait.ge [sflag:s20], $0x400  }
0x190: {  	[sflag:s20] =	ssyncset.done $0x0  }
0x191: {  	[sflag:s20] =	ssyncadd.s32 $0xFFFFFC00  }
0x192: {  	[tilespmem:s15], [sflag:$0x6] =	stream.indirect.gather [hbm4b:s3+s21], $0x10, s28, s21, $0xb8;
	[tilespmem:$0x19800] =	vst v63  }
0x193: {  	_ =	swait.ge [sflag:s13], $0x4000  }
0x194: {  	[sflag:s13] =	ssyncset.done $0x0  }
0x195: {  	s1 =	rddreg [dreg:$0x8];
	[sflag:s13] =	ssyncadd.s32 $0xFFFFC000  }
0x196: {  	[hbm4b:s1+s2] =	stream.linear.scatter [tilespmem:s7], [sflag:$0x7], $0x4000, $0x38;
	[tilespmem:$0x19800] =	vst v63  }
0x197: {  	_ =	swait.ge [sflag:s4], $0x4000  }
0x198: {  	[sflag:s4] =	ssyncset.done $0x0  }
0x199: {  	s1 =	rddreg [dreg:$0x9];
	[sflag:s4] =	ssyncadd.s32 $0xFFFFC000  }
0x19a: {  	[tilespmem:s2], [sflag:$0xD] =	stream.linear.gather [hbm4b:s1+s2], $0x400, $0x38;
	[tilespmem:$0x19800] =	vst v63  }
0x19b: {  	_ =	swait.ge [sflag:s20], $0x400  }
0x19c: {  	[sflag:s20] =	ssyncset.done $0x0  }
0x19d: {  	[sflag:s20] =	ssyncadd.s32 $0xFFFFFC00  }
0x19e: {  	[tilespmem:s7], [sflag:$0x1] =	stream.indirect.gather [hbm4b:s3+s21], $0x10, s2, s21, $0xb8;
	[tilespmem:$0x19800] =	vst v63  }
0x19f: {  	_ =	swait.ge [sflag:s26], $0x4000  }
0x1a0: {  	[sflag:s26] =	ssyncset.done $0x0  }
0x1a1: {  	s1 =	rddreg [dreg:$0xa];
	[sflag:s26] =	ssyncadd.s32 $0xFFFFC000  }
0x1a2: {  	[hbm4b:s1+s2] =	stream.linear.scatter [tilespmem:s19], [sflag:$0x8], $0x4000, $0x38;
	[tilespmem:$0x19800] =	vst v63  }
0x1a3: {  	_ =	swait.ge [sflag:s11], $0x4000  }
0x1a4: {  	[sflag:s11] =	ssyncset.done $0x0  }
0x1a5: {  	s1 =	rddreg [dreg:$0xb];
	[sflag:s11] =	ssyncadd.s32 $0xFFFFC000  }
0x1a6: {  	[tilespmem:s21], [sflag:$0xD] =	stream.linear.gather [hbm4b:s1+s2], $0x400, $0x38;
	[tilespmem:$0x19800] =	vst v63  }
0x1a7: {  	_ =	swait.ge [sflag:s20], $0x400  }
0x1a8: {  	[sflag:s20] =	ssyncset.done $0x0  }
0x1a9: {  	[sflag:s20] =	ssyncadd.s32 $0xFFFFFC00  }
0x1aa: {  	[tilespmem:s19], [sflag:$0x2] =	stream.indirect.gather [hbm4b:s3+s21], $0x10, s21, s21, $0xb8;
	[tilespmem:$0x19800] =	vst v63  }
0x1ab: {  	_ =	swait.ge [sflag:s24], $0x4000  }
0x1ac: {  	[sflag:s24] =	ssyncset.done $0x0  }
0x1ad: {  	s1 =	rddreg [dreg:$0xc];
	[sflag:s24] =	ssyncadd.s32 $0xFFFFC000  }
0x1ae: {  	[hbm4b:s1+s2] =	stream.linear.scatter [tilespmem:s18], [sflag:$0x9], $0x4000, $0x38;
	[tilespmem:$0x19800] =	vst v63  }
0x1af: {  	_ =	swait.ge [sflag:s9], $0x4000  }
0x1b0: {  	[sflag:s9] =	ssyncset.done $0x0  }
0x1b1: {  	s1 =	rddreg [dreg:$0xd];
	[sflag:s9] =	ssyncadd.s32 $0xFFFFC000  }
0x1b2: {  	[tilespmem:s31], [sflag:$0xD] =	stream.linear.gather [hbm4b:s1+s2], $0x400, $0x38;
	[tilespmem:$0x19800] =	vst v63  }
0x1b3: {  	_ =	swait.ge [sflag:s20], $0x400  }
0x1b4: {  	[sflag:s20] =	ssyncset.done $0x0  }
0x1b5: {  	[sflag:s20] =	ssyncadd.s32 $0xFFFFFC00  }
0x1b6: {  	[tilespmem:s18], [sflag:$0x3] =	stream.indirect.gather [hbm4b:s3+s21], $0x10, s31, s21, $0xb8;
	[tilespmem:$0x19800] =	vst v63  }
0x1b7: {  	_ =	swait.ge [sflag:s25], $0x4000  }
0x1b8: {  	[sflag:s25] =	ssyncset.done $0x0  }
0x1b9: {  	s31 =	rddreg [dreg:$0xe];
	[sflag:s25] =	ssyncadd.s32 $0xFFFFC000  }
0x1ba: {  	[hbm4b:s31+s2] =	stream.linear.scatter [tilespmem:s17], [sflag:$0xA], $0x4000, $0x38;
	[tilespmem:$0x19800] =	vst v63  }
0x1bb: {  	_ =	swait.ge [sflag:s14], $0x4000  }
0x1bc: {  	[sflag:s14] =	ssyncset.done $0x0  }
0x1bd: {  	s1 =	rddreg [dreg:$0xf];
	[sflag:s14] =	ssyncadd.s32 $0xFFFFC000  }
0x1be: {  	[tilespmem:s30], [sflag:$0xD] =	stream.linear.gather [hbm4b:s1+s2], $0x400, $0x38;
	[tilespmem:$0x19800] =	vst v63  }
0x1bf: {  	_ =	swait.ge [sflag:s20], $0x400  }
0x1c0: {  	[sflag:s20] =	ssyncset.done $0x0  }
0x1c1: {  	[sflag:s20] =	ssyncadd.s32 $0xFFFFFC00  }
0x1c2: {  	[tilespmem:s17], [sflag:$0x4] =	stream.indirect.gather [hbm4b:s3+s21], $0x10, s30, s21, $0xb8;
	[tilespmem:$0x19800] =	vst v63  }
0x1c3: {  	_ =	swait.ge [sflag:s23], $0x4000  }
0x1c4: {  	[sflag:s23] =	ssyncset.done $0x0  }
0x1c5: {  	s31 =	rddreg [dreg:$0x10];
	[sflag:s23] =	ssyncadd.s32 $0xFFFFC000  }
0x1c6: {  	[hbm4b:s31+s2] =	stream.linear.scatter [tilespmem:s16], [sflag:$0xB], $0x4000, $0x38;
	[tilespmem:$0x19800] =	vst v63  }
0x1c7: {  	_ =	swait.ge [sflag:s12], $0x4000  }
0x1c8: {  	[sflag:s12] =	ssyncset.done $0x0  }
0x1c9: {  	s1 =	rddreg [dreg:$0x11];
	[sflag:s12] =	ssyncadd.s32 $0xFFFFC000  }
0x1ca: {  	[tilespmem:s29], [sflag:$0xD] =	stream.linear.gather [hbm4b:s1+s2], $0x400, $0x38;
	[tilespmem:$0x19800] =	vst v63  }
0x1cb: {  	_ =	swait.ge [sflag:s20], $0x400  }
0x1cc: {  	[sflag:s20] =	ssyncset.done $0x0  }
0x1cd: {  	[sflag:s20] =	ssyncadd.s32 $0xFFFFFC00  }
0x1ce: {  	[tilespmem:s16], [sflag:$0x5] =	stream.indirect.gather [hbm4b:s3+s21], $0x10, s29, s21, $0xb8;
	[tilespmem:$0x19800] =	vst v63  }
0x1cf: {  	_ =	swait.ge [sflag:s22], $0x4000  }
0x1d0: {  	[sflag:s22] =	ssyncset.done $0x0  }
0x1d1: {  	s29 =	rddreg [dreg:$0x12];
	[sflag:s22] =	ssyncadd.s32 $0xFFFFC000  }
0x1d2: {  	[hbm4b:s29+s2] =	stream.linear.scatter [tilespmem:s15], [sflag:$0xC], $0x4000, $0x38;
	[tilespmem:$0x19800] =	vst v63  }
0x1d3: {  	_ =	swait.ge [sflag:s10], $0x4000  }
0x1d4: {  	[sflag:s10] =	ssyncset.done $0x0  }
0x1d5: {  	s30 =	rddreg [dreg:$0x13];
	[sflag:s10] =	ssyncadd.s32 $0xFFFFC000  }
0x1d6: {  	[tilespmem:s28], [sflag:$0xD] =	stream.linear.gather [hbm4b:s30+s2], $0x400, $0x38;
	[tilespmem:$0x19800] =	vst v63  }
0x1d7: {  	_ =	swait.ge [sflag:s20], $0x400  }
0x1d8: {  	[sflag:s20] =	ssyncset.done $0x0  }
0x1d9: {  	[sflag:s20] =	ssyncadd.s32 $0xFFFFFC00  }
0x1da: {  	[tilespmem:s15], [sflag:$0x6] =	stream.indirect.gather [hbm4b:s3+s21], $0x10, s28, s21, $0xb8;
	[tilespmem:$0x19800] =	vst v63  }
0x1db: {  	_ =	swait.ge [sflag:s13], $0x4000  }
0x1dc: {  	[sflag:s13] =	ssyncset.done $0x0  }
0x1dd: {  	s31 =	rddreg [dreg:$0x14];
	[sflag:s13] =	ssyncadd.s32 $0xFFFFC000  }
0x1de: {  	[hbm4b:s31+s2] =	stream.linear.scatter [tilespmem:s7], [sflag:$0x7], $0x4000, $0x38;
	[tilespmem:$0x19800] =	vst v63  }
0x1df: {  	_ =	swait.ge [sflag:s4], $0x4000  }
0x1e0: {  	[sflag:s4] =	ssyncset.done $0x0  }
0x1e1: {  	s1 =	rddreg [dreg:$0x15];
	[sflag:s4] =	ssyncadd.s32 $0xFFFFC000  }
0x1e2: {  	[tilespmem:s2], [sflag:$0xD] =	stream.linear.gather [hbm4b:s1+s2], $0x400, $0x38;
	[tilespmem:$0x19800] =	vst v63  }
0x1e3: {  	_ =	swait.ge [sflag:s20], $0x400  }
0x1e4: {  	[sflag:s20] =	ssyncset.done $0x0  }
0x1e5: {  	[sflag:s20] =	ssyncadd.s32 $0xFFFFFC00  }
0x1e6: {  	[tilespmem:s7], [sflag:$0x1] =	stream.indirect.gather [hbm4b:s3+s21], $0x10, s2, s21, $0xb8;
	[tilespmem:$0x19800] =	vst v63  }
0x1e7: {  	_ =	swait.ge [sflag:s26], $0x4000  }
0x1e8: {  	[sflag:s26] =	ssyncset.done $0x0  }
0x1e9: {  	s28 =	rddreg [dreg:$0x16];
	[sflag:s26] =	ssyncadd.s32 $0xFFFFC000  }
0x1ea: {  	[hbm4b:s28+s2] =	stream.linear.scatter [tilespmem:s19], [sflag:$0x8], $0x4000, $0x38;
	[tilespmem:$0x19800] =	vst v63  }
0x1eb: {  	_ =	swait.ge [sflag:s24], $0x4000  }
0x1ec: {  	[sflag:s24] =	ssyncset.done $0x0  }
0x1ed: {  	s29 =	rddreg [dreg:$0x17];
	[sflag:s24] =	ssyncadd.s32 $0xFFFFC000  }
0x1ee: {  	[hbm4b:s29+s2] =	stream.linear.scatter [tilespmem:s18], [sflag:$0x9], $0x4000, $0x38;
	[tilespmem:$0x19800] =	vst v63  }
0x1ef: {  	_ =	swait.ge [sflag:s25], $0x4000  }
0x1f0: {  	[sflag:s25] =	ssyncset.done $0x0  }
0x1f1: {  	s30 =	rddreg [dreg:$0x18];
	[sflag:s25] =	ssyncadd.s32 $0xFFFFC000  }
0x1f2: {  	[hbm4b:s30+s2] =	stream.linear.scatter [tilespmem:s17], [sflag:$0xA], $0x4000, $0x38;
	[tilespmem:$0x19800] =	vst v63  }
0x1f3: {  	_ =	swait.ge [sflag:s23], $0x4000  }
0x1f4: {  	[sflag:s23] =	ssyncset.done $0x0  }
0x1f5: {  	[sflag:s23] =	ssyncadd.s32 $0xFFFFC000  }
0x1f6: {  	[hbm4b:s8+s2] =	stream.linear.scatter [tilespmem:s16], [sflag:$0xB], $0x4000, $0x38;
	[tilespmem:$0x19800] =	vst v63  }
0x1f7: {  	_ =	swait.ge [sflag:s22], $0x4000  }
0x1f8: {  	[sflag:s22] =	ssyncset.done $0x0  }
0x1f9: {  	[sflag:s22] =	ssyncadd.s32 $0xFFFFC000  }
0x1fa: {  	[hbm4b:s6+s2] =	stream.linear.scatter [tilespmem:s15], [sflag:$0xC], $0x4000, $0x38;
	[tilespmem:$0x19800] =	vst v63  }
0x1fb: {  	_ =	swait.ge [sflag:s13], $0x4000  }
0x1fc: {  	[sflag:s13] =	ssyncset.done $0x0  }
0x1fd: {  	[sflag:s13] =	ssyncadd.s32 $0xFFFFC000  }
0x1fe: {  	[hbm4b:s5+s2] =	stream.linear.scatter [tilespmem:s7], [sflag:$0x7], $0x4000, $0x38;
	[tilespmem:$0x19800] =	vst v63  }
0x1ff: {  	_ =	swait.ge [sflag:s11], $0x4000  }
0x200: {  	[sflag:s11] =	ssyncset.done $0x0  }
0x201: {  	[sflag:s11] =	ssyncadd.s32 $0xFFFFC000  }
0x202: {  	_ =	swait.ge [sflag:s9], $0x4000  }
0x203: {  	[sflag:s9] =	ssyncset.done $0x0  }
0x204: {  	[sflag:s9] =	ssyncadd.s32 $0xFFFFC000  }
0x205: {  	_ =	swait.ge [sflag:s14], $0x4000  }
0x206: {  	[sflag:s14] =	ssyncset.done $0x0  }
0x207: {  	[sflag:s14] =	ssyncadd.s32 $0xFFFFC000  }
0x208: {  	_ =	swait.ge [sflag:s12], $0x4000  }
0x209: {  	[sflag:s12] =	ssyncset.done $0x0  }
0x20a: {  	[sflag:s12] =	ssyncadd.s32 $0xFFFFC000  }
0x20b: {  	_ =	swait.ge [sflag:s10], $0x4000  }
0x20c: {  	[sflag:s10] =	ssyncset.done $0x0  }
0x20d: {  	[sflag:s10] =	ssyncadd.s32 $0xFFFFC000  }
0x20e: {  	_ =	swait.ge [sflag:s4], $0x4000  }
0x20f: {  	[sflag:s4] =	ssyncset.done $0x0  }
0x210: {  	[sflag:s4] =	ssyncadd.s32 $0xFFFFC000  }
0x211: {  	_ =	sfence.sel $0x180000  }
0x212: {  	[bflag:$0x0] =	sbarrier.arrive $0xFFFF  }
0x213: {  	_ =	strace $0x90000047  }
0x214: {  	s31 =	stileid.u32;
	[bflag:$0x2] =	sbarrier.arrive $0xFFFF  }
0x215: {  	p0 =	sne.s32 s31, $0x0;
	s0 =	rddreg [dreg:$0x1]  }
0x216: {  	s0 =	sadd.s32 @!p0 $0x100000, s0  }
0x217: {  	[sflag:s0] =	ssyncadd.tile.s32 @!p0 $0x1;
	_ =	shalt  }
.Lfunc_end2:
_tile_overlayer_lowered:
.L_overlay_start_2:
0x218: {  	(tag) =	ssettag $0x2  }
0x219: {  	s0 =	rddreg [dreg:$0x0];
	s2 =	stileid.u32  }
0x21a: {  	s1 =	rddreg [dreg:$0x1];
	p0 =	sne.s32 s2, $0x0  }
0x21b: {  	s3 =	rddreg [dreg:$0x2];
	[bflag:$0x3] =	sbarrier.arrive $0xFFFF;
	s2 =	simm.s32 @!p0 $0x1C0D  }
0x21c: {  	[timem:s3], [sflag:s2] =	dma.local @!p0 [hbm:s0], s1  }
0x21d: {  	s0 =	simm.s32 @!p0 $0xD  }
0x21e: {  	_ =	swait.ge @!p0 [sflag:s0], s1  }
0x21f: {  	s1 =	ssub.s32 @!p0 $0x0, s1;
	[sflag:s0] =	ssyncset.done @!p0 $0x0  }
0x220: {  	[sflag:s0] =	ssyncadd.s32 @!p0 s1  }
0x221: {  	[bflag:$0x3] =	sbarrier.arrive $0xFFFF  }
0x222: {  	_ =	shalt  }

</sc_bundles>
